<compile_context>
chip_gen: v7x
topology: tpu7x:2x2x1
jax: 0.10.2.dev20260603
libtpu: 0.0.44.dev20260713+nightly
codegen_flags: <defaults>
</compile_context>

<pallas_src>
import functools

import jax
import jax.numpy as jnp
from jax import lax
from jax.experimental import pallas as pl
from jax.experimental.pallas import tpu as pltpu
from jax.experimental.pallas import tpu_sc as plsc

_NC = 2
_NS = 16
_NW = _NC * _NS
_NBUF = 8
_K = 12800
_NBLK = 512


def _pack_body(t_ref, i_ref, o_ref):
    eye = i_ref[...]
    a = lax.dot_general(
        t_ref[:, :_K], eye, (((0,), (0,)), ((), ())),
        preferred_element_type=jnp.float32,
    )
    bb = lax.dot_general(
        t_ref[:, _K:], eye, (((0,), (0,)), ((), ())),
        preferred_element_type=jnp.float32,
    )
    o_ref[:, 0:64] = a
    o_ref[:, 64:128] = bb


def _tc_pack_table(table_t):
    d, v = table_t.shape
    nblk = pl.cdiv(v, 2 * _K)
    return pl.pallas_call(
        _pack_body,
        grid=(nblk,),
        in_specs=[
            pl.BlockSpec((d, 2 * _K), lambda j: (0, j)),
            pl.BlockSpec((d, d), lambda j: (0, 0)),
        ],
        out_specs=pl.BlockSpec((_K, 2 * d), lambda j: (j, 0)),
        out_shape=jax.ShapeDtypeStruct((nblk * _K, 2 * d), jnp.float32),
    )(table_t, jnp.eye(d, dtype=jnp.float32))


_CH = 128


def _gather_body(imt_hbm, table_hbm, out_hbm, idx_v, rows_v, sem):
    seq, nrow = imt_hbm.shape
    m = nrow // _NW
    nch = m // _CH
    wid = lax.axis_index("s") * _NC + lax.axis_index("c")
    r0 = wid * m
    m0 = (wid // 2) * m
    off = (wid % 2) * 64

    pltpu.sync_copy(imt_hbm.at[:, pl.ds(r0, m)], idx_v)

    def _start(q, b):
        l, c0 = q // nch, (q % nch) * _CH
        pltpu.async_copy(
            table_hbm.at[idx_v.at[l, pl.ds(c0, _CH)]], rows_v.at[b], sem
        )

    def _wait_one(b):
        pltpu.make_async_copy(
            table_hbm.at[idx_v.at[0, pl.ds(0, _CH)]], rows_v.at[b], sem
        ).wait()

    for b in range(_NBUF):
        _start(b, b)

    nq = seq * nch

    def _group(i, _):
        go = i * _NBUF
        for b in range(_NBUF):
            q = go + b
            l, c0 = q // nch, (q % nch) * _CH
            _wait_one(b)
            pltpu.sync_copy(
                rows_v.at[b], out_hbm.at[l, pl.ds(m0 + c0, _CH), pl.ds(off, 64)]
            )
            nxt = q + _NBUF

            @pl.when(nxt < nq)
            def _():
                _start(nxt, b)

        return 0

    lax.fori_loop(0, nq // _NBUF, _group, 0)


def _sc_gather(imaget, table):
    seq, nrow = imaget.shape
    v, d = table.shape
    m = nrow // _NW
    run = pl.kernel(
        _gather_body,
        mesh=plsc.VectorSubcoreMesh(core_axis_name="c", subcore_axis_name="s"),
        out_type=jax.ShapeDtypeStruct((seq, nrow // 2, 2 * d), jnp.float32),
        scratch_types=[
            pltpu.VMEM((seq, m), jnp.int32),
            pltpu.VMEM((_NBUF, _CH, d), jnp.float32),
            pltpu.SemaphoreType.DMA,
        ],
        compiler_params=pltpu.CompilerParams(use_tc_tiling_on_sc=False),
    )
    return run(imaget, table)


def _proj_body(f_ref, w_ref, b_ref, o_ref):
    f = f_ref[0]
    w = w_ref[...]
    bias = b_ref[...]
    oa = lax.dot_general(
        w, f[:, 0:64], (((1,), (1,)), ((), ())),
        preferred_element_type=jnp.float32,
    ) + bias
    ob = lax.dot_general(
        w, f[:, 64:128], (((1,), (1,)), ((), ())),
        preferred_element_type=jnp.float32,
    ) + bias
    jb = f.shape[0]
    for p in range(jb // _NBLK):
        lo = _NBLK * p
        o_ref[0, :, 2 * lo:2 * lo + _NBLK] = oa[:, lo:lo + _NBLK]
        o_ref[0, :, 2 * lo + _NBLK:2 * lo + 2 * _NBLK] = ob[:, lo:lo + _NBLK]


def _tc_project(f5, w, bcol):
    seq, half, dd = f5.shape
    d = dd // 2
    jb = 4096
    return pl.pallas_call(
        _proj_body,
        grid=(seq, half // jb),
        in_specs=[
            pl.BlockSpec((1, jb, dd), lambda l, jm: (l, jm, 0)),
            pl.BlockSpec((d, d), lambda l, jm: (0, 0)),
            pl.BlockSpec((d, 1), lambda l, jm: (0, 0)),
        ],
        out_specs=pl.BlockSpec((1, d, 2 * jb), lambda l, jm: (l, 0, jm)),
        out_shape=jax.ShapeDtypeStruct((seq, d, 2 * half), jnp.float32),
    )(f5, w, bcol)


def kernel(image, table, W, b):
    v, d = table.shape
    nrow, seq = image.shape

    q2 = _tc_pack_table(table.T)
    q = q2.reshape(2 * q2.shape[0], d)

    im = image.T.astype(jnp.int32)
    t = im % (2 * _K)
    im2 = 2 * ((im // (2 * _K)) * _K + t % _K) + t // _K

    f5 = _sc_gather(im2, q)
    out_t = _tc_project(f5, W, b.reshape(d, 1))
    return jnp.transpose(out_t, (2, 0, 1))

# --- scband reference (transcript-rebuilt; emitter-appended) ---
"""Pipeline reference for scband-encoder-36704790512255 (READ-ONLY COPY).

The authoritative reference and input builder live on the scoring server;
editing this copy changes nothing except your own understanding.
"""

import jax, jax.numpy as jnp
import numpy as np


def setup_inputs(seed: int = 0) -> dict:
    key = jax.random.key(seed)
    k1, k2, k3 = jax.random.split(key, 3)
    # indices into the pretrained (frozen) embedding table
    image = jax.random.randint(k1, (16384, 50), 0, 1000000)
    # frozen pretrained embedding table: [vocab, in_size]
    table = jax.random.normal(k2, (1000000, 64), dtype=jnp.float32) * 0.02
    # trainable linear projection: in_size=64 -> embed_size=64
    W = jax.random.normal(k3, (64, 64), dtype=jnp.float32) * (1.0 / np.sqrt(64.0))
    b = jnp.zeros((64,), dtype=jnp.float32)
    return {"image": image, "table": table, "W": W, "b": b}


def reference(image, table, W, b):
    # with torch.no_grad(): features = self.embedding(image)
    features = jnp.take(table, image, axis=0)  # [B, L, in_size]
    # self.linear(features)
    return features @ W.T + b  # [B, L, embed_size]

if __name__ == "__main__":
    import jax
    _d = setup_inputs()
    print(jax.jit(kernel)(*tuple(_d.values())))

</pallas_src>

<mosaic_0001>
#map = affine_map<(d0, d1) -> (0, 0)>
#map1 = affine_map<(d0, d1) -> (0, 0, 0)>
module attributes {stable_mosaic.version = 14 : i64} {
  func.func @_gather_body(%arg0: i32, %arg1: i32, %arg2: memref<50x16384xi32, #tpu.memory_space<hbm>>, %arg3: memref<1024000x64xf32, #tpu.memory_space<hbm>>, %arg4: memref<50x8192x128xf32, #tpu.memory_space<hbm>>, %arg5: memref<50x512xi32, #tpu.memory_space<vmem>>, %arg6: memref<8x128x64xf32, #tpu.memory_space<vmem>>, %arg7: memref<!tpu.dma_semaphore, #tpu.memory_space<semaphore_mem>>) attributes {dimension_semantics = [#tpu.dimension_semantics<core_parallel>, #tpu.dimension_semantics<subcore_parallel>], iteration_bounds = array<i64: 2, 16>, scalar_prefetch = 0 : i64, scratch_operands = 3 : i64, tpu.core_type = #tpu.core_type<sc_vector_subcore>, window_params = [{transform_indices = #map}, {transform_indices = #map}, {transform_indices = #map1}]} {
    %mul3A = arith.constant 2 : i32
    %mul3A_0 = arith.muli %arg1, %mul3A : i32
    %add3A = arith.addi %mul3A_0, %arg0 : i32
    %mul3A_1 = arith.constant 512 : i32
    %mul3A_2 = arith.muli %add3A, %mul3A_1 : i32
    %jit3A = arith.constant 2 : i32
    %div3A = arith.divsi %add3A, %jit3A : i32
    %sign3A = arith.constant 0 : i32
    %sign3A_3 = arith.cmpi sgt, %add3A, %sign3A : i32
    %sign3A_4 = arith.extui %sign3A_3 : i1 to i32
    %sign3A_5 = arith.constant 0 : i32
    %sign3A_6 = arith.cmpi slt, %add3A, %sign3A_5 : i32
    %sign3A_7 = arith.extui %sign3A_6 : i1 to i32
    %sign3A_8 = arith.subi %sign3A_4, %sign3A_7 : i32
    %sign3A_9 = arith.constant 0 : i32
    %sign3A_10 = arith.cmpi sgt, %jit3A, %sign3A_9 : i32
    %sign3A_11 = arith.extui %sign3A_10 : i1 to i32
    %sign3A_12 = arith.constant 0 : i32
    %sign3A_13 = arith.cmpi slt, %jit3A, %sign3A_12 : i32
    %sign3A_14 = arith.extui %sign3A_13 : i1 to i32
    %sign3A_15 = arith.subi %sign3A_11, %sign3A_14 : i32
    %ne3A = arith.cmpi ne, %sign3A_8, %sign3A_15 : i32
    %rem3A = arith.remsi %add3A, %jit3A : i32
    %ne3A_16 = arith.constant 0 : i32
    %ne3A_17 = arith.cmpi ne, %rem3A, %ne3A_16 : i32
    %and3A = arith.andi %ne3A, %ne3A_17 : i1
    %sub3A = arith.constant 1 : i32
    %sub3A_18 = arith.subi %div3A, %sub3A : i32
    %select_n3A = arith.select %and3A, %sub3A_18, %div3A : i32
    %mul3A_19 = arith.constant 512 : i32
    %mul3A_20 = arith.muli %select_n3A, %mul3A_19 : i32
    %jit3A_21 = arith.constant 2 : i32
    %eq3A = arith.constant 0 : i32
    %eq3A_22 = arith.cmpi eq, %jit3A_21, %eq3A : i32
    %jit3A_23 = arith.constant 1 : i32
    %select_n3A_24 = arith.select %eq3A_22, %jit3A_23, %jit3A_21 : i32
    %rem3A_25 = arith.remsi %add3A, %select_n3A_24 : i32
    %ne3A_26 = arith.constant 0 : i32
    %ne3A_27 = arith.cmpi ne, %rem3A_25, %ne3A_26 : i32
    %lt3A = arith.constant 0 : i32
    %lt3A_28 = arith.cmpi slt, %rem3A_25, %lt3A : i32
    %lt3A_29 = arith.constant 0 : i32
    %lt3A_30 = arith.cmpi slt, %select_n3A_24, %lt3A_29 : i32
    %ne3A_31 = arith.xori %lt3A_28, %lt3A_30 : i1
    %and3A_32 = arith.andi %ne3A_31, %ne3A_27 : i1
    %add3A_33 = arith.addi %rem3A_25, %select_n3A_24 : i32
    %select_n3A_34 = arith.select %and3A_32, %add3A_33, %rem3A_25 : i32
    %mul3A_35 = arith.constant 64 : i32
    %mul3A_36 = arith.muli %select_n3A_34, %mul3A_35 : i32
    "tpu.region"() ({
      %run_scoped3A = tpu.sem_alloc : memref<!tpu.dma_semaphore, #tpu.memory_space<semaphore_mem>>
      %dma_start3A_138 = arith.constant 0 : i32
      %dma_start3A_139 = tpu.memref_slice %arg2[%dma_start3A_138, %mul3A_2] : memref<50x16384xi32, #tpu.memory_space<hbm>> -> memref<50x512xi32, #tpu.memory_space<hbm>>
      %dma_start3A_140 = arith.constant 0 : i32
      %dma_start3A_141 = tpu.memref_slice %arg2[%dma_start3A_140, %mul3A_2] : memref<50x16384xi32, #tpu.memory_space<hbm>> -> memref<50x512xi32, #tpu.memory_space<hbm>>
      tpu.enqueue_dma source(%dma_start3A_141 : memref<50x512xi32, #tpu.memory_space<hbm>>) target(%arg5 : memref<50x512xi32, #tpu.memory_space<vmem>>) target_semaphore(%run_scoped3A : memref<!tpu.dma_semaphore, #tpu.memory_space<semaphore_mem>>)
      %dma_wait3A = arith.constant 0 : i32
      %dma_wait3A_142 = tpu.memref_slice %arg2[%dma_wait3A, %mul3A_2] : memref<50x16384xi32, #tpu.memory_space<hbm>> -> memref<50x512xi32, #tpu.memory_space<hbm>>
      %dma_wait3A_143 = arith.constant 0 : i32
      %dma_wait3A_144 = tpu.memref_slice %arg2[%dma_wait3A_143, %mul3A_2] : memref<50x16384xi32, #tpu.memory_space<hbm>> -> memref<50x512xi32, #tpu.memory_space<hbm>>
      tpu.wait_dma2 semaphore(%run_scoped3A : memref<!tpu.dma_semaphore, #tpu.memory_space<semaphore_mem>>) src(%dma_wait3A_144 : memref<50x512xi32, #tpu.memory_space<hbm>>) dst(%arg5 : memref<50x512xi32, #tpu.memory_space<vmem>>)
      tpu.yield
    }) : () -> ()
    %dma_start3A = arith.constant 0 : i32
    %dma_start3A_37 = arith.constant 0 : i32
    %dma_start3A_38 = arith.constant 0 : i32
    %dma_start3A_39 = arith.constant 0 : i32
    %dma_start3A_40 = tpu.memref_slice %arg6[%dma_start3A_37, %dma_start3A_38, %dma_start3A_39] : memref<8x128x64xf32, #tpu.memory_space<vmem>> -> memref<1x128x64xf32, #tpu.memory_space<vmem>>
    %dma_start3A_41 = tpu.memref_squeeze %dma_start3A_40 : memref<1x128x64xf32, #tpu.memory_space<vmem>> -> memref<128x64xf32, #tpu.memory_space<vmem>>
    %dma_start3A_42 = arith.constant 0 : i32
    %dma_start3A_43 = tpu.memref_slice %arg5[%dma_start3A, %dma_start3A_42] : memref<50x512xi32, #tpu.memory_space<vmem>> -> memref<1x128xi32, #tpu.memory_space<vmem>>
    %dma_start3A_44 = tpu.memref_squeeze %dma_start3A_43 : memref<1x128xi32, #tpu.memory_space<vmem>> -> memref<128xi32, #tpu.memory_space<vmem>>
    %dma_start3A_45 = arith.constant 0 : i32
    %dma_start3A_46 = arith.constant 0 : i32
    %dma_start3A_47 = tpu.memref_slice %arg3[%dma_start3A_45, %dma_start3A_46] : memref<1024000x64xf32, #tpu.memory_space<hbm>> -> memref<1024000x64xf32, #tpu.memory_space<hbm>>
    tpu.enqueue_indirect_dma source(%dma_start3A_47 : memref<1024000x64xf32, #tpu.memory_space<hbm>>) target(%dma_start3A_41 : memref<128x64xf32, #tpu.memory_space<vmem>>) offsets(%dma_start3A_44 : memref<128xi32, #tpu.memory_space<vmem>>) semaphore(%arg7 : memref<!tpu.dma_semaphore, #tpu.memory_space<semaphore_mem>>)
    %dma_start3A_48 = arith.constant 0 : i32
    %dma_start3A_49 = arith.constant 1 : i32
    %dma_start3A_50 = arith.constant 0 : i32
    %dma_start3A_51 = arith.constant 0 : i32
    %dma_start3A_52 = tpu.memref_slice %arg6[%dma_start3A_49, %dma_start3A_50, %dma_start3A_51] : memref<8x128x64xf32, #tpu.memory_space<vmem>> -> memref<1x128x64xf32, #tpu.memory_space<vmem>>
    %dma_start3A_53 = tpu.memref_squeeze %dma_start3A_52 : memref<1x128x64xf32, #tpu.memory_space<vmem>> -> memref<128x64xf32, #tpu.memory_space<vmem>>
    %dma_start3A_54 = arith.constant 128 : i32
    %dma_start3A_55 = tpu.memref_slice %arg5[%dma_start3A_48, %dma_start3A_54] : memref<50x512xi32, #tpu.memory_space<vmem>> -> memref<1x128xi32, #tpu.memory_space<vmem>>
    %dma_start3A_56 = tpu.memref_squeeze %dma_start3A_55 : memref<1x128xi32, #tpu.memory_space<vmem>> -> memref<128xi32, #tpu.memory_space<vmem>>
    %dma_start3A_57 = arith.constant 0 : i32
    %dma_start3A_58 = arith.constant 0 : i32
    %dma_start3A_59 = tpu.memref_slice %arg3[%dma_start3A_57, %dma_start3A_58] : memref<1024000x64xf32, #tpu.memory_space<hbm>> -> memref<1024000x64xf32, #tpu.memory_space<hbm>>
    tpu.enqueue_indirect_dma source(%dma_start3A_59 : memref<1024000x64xf32, #tpu.memory_space<hbm>>) target(%dma_start3A_53 : memref<128x64xf32, #tpu.memory_space<vmem>>) offsets(%dma_start3A_56 : memref<128xi32, #tpu.memory_space<vmem>>) semaphore(%arg7 : memref<!tpu.dma_semaphore, #tpu.memory_space<semaphore_mem>>)
    %dma_start3A_60 = arith.constant 0 : i32
    %dma_start3A_61 = arith.constant 2 : i32
    %dma_start3A_62 = arith.constant 0 : i32
    %dma_start3A_63 = arith.constant 0 : i32
    %dma_start3A_64 = tpu.memref_slice %arg6[%dma_start3A_61, %dma_start3A_62, %dma_start3A_63] : memref<8x128x64xf32, #tpu.memory_space<vmem>> -> memref<1x128x64xf32, #tpu.memory_space<vmem>>
    %dma_start3A_65 = tpu.memref_squeeze %dma_start3A_64 : memref<1x128x64xf32, #tpu.memory_space<vmem>> -> memref<128x64xf32, #tpu.memory_space<vmem>>
    %dma_start3A_66 = arith.constant 256 : i32
    %dma_start3A_67 = tpu.memref_slice %arg5[%dma_start3A_60, %dma_start3A_66] : memref<50x512xi32, #tpu.memory_space<vmem>> -> memref<1x128xi32, #tpu.memory_space<vmem>>
    %dma_start3A_68 = tpu.memref_squeeze %dma_start3A_67 : memref<1x128xi32, #tpu.memory_space<vmem>> -> memref<128xi32, #tpu.memory_space<vmem>>
    %dma_start3A_69 = arith.constant 0 : i32
    %dma_start3A_70 = arith.constant 0 : i32
    %dma_start3A_71 = tpu.memref_slice %arg3[%dma_start3A_69, %dma_start3A_70] : memref<1024000x64xf32, #tpu.memory_space<hbm>> -> memref<1024000x64xf32, #tpu.memory_space<hbm>>
    tpu.enqueue_indirect_dma source(%dma_start3A_71 : memref<1024000x64xf32, #tpu.memory_space<hbm>>) target(%dma_start3A_65 : memref<128x64xf32, #tpu.memory_space<vmem>>) offsets(%dma_start3A_68 : memref<128xi32, #tpu.memory_space<vmem>>) semaphore(%arg7 : memref<!tpu.dma_semaphore, #tpu.memory_space<semaphore_mem>>)
    %dma_start3A_72 = arith.constant 0 : i32
    %dma_start3A_73 = arith.constant 3 : i32
    %dma_start3A_74 = arith.constant 0 : i32
    %dma_start3A_75 = arith.constant 0 : i32
    %dma_start3A_76 = tpu.memref_slice %arg6[%dma_start3A_73, %dma_start3A_74, %dma_start3A_75] : memref<8x128x64xf32, #tpu.memory_space<vmem>> -> memref<1x128x64xf32, #tpu.memory_space<vmem>>
    %dma_start3A_77 = tpu.memref_squeeze %dma_start3A_76 : memref<1x128x64xf32, #tpu.memory_space<vmem>> -> memref<128x64xf32, #tpu.memory_space<vmem>>
    %dma_start3A_78 = arith.constant 384 : i32
    %dma_start3A_79 = tpu.memref_slice %arg5[%dma_start3A_72, %dma_start3A_78] : memref<50x512xi32, #tpu.memory_space<vmem>> -> memref<1x128xi32, #tpu.memory_space<vmem>>
    %dma_start3A_80 = tpu.memref_squeeze %dma_start3A_79 : memref<1x128xi32, #tpu.memory_space<vmem>> -> memref<128xi32, #tpu.memory_space<vmem>>
    %dma_start3A_81 = arith.constant 0 : i32
    %dma_start3A_82 = arith.constant 0 : i32
    %dma_start3A_83 = tpu.memref_slice %arg3[%dma_start3A_81, %dma_start3A_82] : memref<1024000x64xf32, #tpu.memory_space<hbm>> -> memref<1024000x64xf32, #tpu.memory_space<hbm>>
    tpu.enqueue_indirect_dma source(%dma_start3A_83 : memref<1024000x64xf32, #tpu.memory_space<hbm>>) target(%dma_start3A_77 : memref<128x64xf32, #tpu.memory_space<vmem>>) offsets(%dma_start3A_80 : memref<128xi32, #tpu.memory_space<vmem>>) semaphore(%arg7 : memref<!tpu.dma_semaphore, #tpu.memory_space<semaphore_mem>>)
    %dma_start3A_84 = arith.constant 1 : i32
    %dma_start3A_85 = arith.constant 4 : i32
    %dma_start3A_86 = arith.constant 0 : i32
    %dma_start3A_87 = arith.constant 0 : i32
    %dma_start3A_88 = tpu.memref_slice %arg6[%dma_start3A_85, %dma_start3A_86, %dma_start3A_87] : memref<8x128x64xf32, #tpu.memory_space<vmem>> -> memref<1x128x64xf32, #tpu.memory_space<vmem>>
    %dma_start3A_89 = tpu.memref_squeeze %dma_start3A_88 : memref<1x128x64xf32, #tpu.memory_space<vmem>> -> memref<128x64xf32, #tpu.memory_space<vmem>>
    %dma_start3A_90 = arith.constant 0 : i32
    %dma_start3A_91 = tpu.memref_slice %arg5[%dma_start3A_84, %dma_start3A_90] : memref<50x512xi32, #tpu.memory_space<vmem>> -> memref<1x128xi32, #tpu.memory_space<vmem>>
    %dma_start3A_92 = tpu.memref_squeeze %dma_start3A_91 : memref<1x128xi32, #tpu.memory_space<vmem>> -> memref<128xi32, #tpu.memory_space<vmem>>
    %dma_start3A_93 = arith.constant 0 : i32
    %dma_start3A_94 = arith.constant 0 : i32
    %dma_start3A_95 = tpu.memref_slice %arg3[%dma_start3A_93, %dma_start3A_94] : memref<1024000x64xf32, #tpu.memory_space<hbm>> -> memref<1024000x64xf32, #tpu.memory_space<hbm>>
    tpu.enqueue_indirect_dma source(%dma_start3A_95 : memref<1024000x64xf32, #tpu.memory_space<hbm>>) target(%dma_start3A_89 : memref<128x64xf32, #tpu.memory_space<vmem>>) offsets(%dma_start3A_92 : memref<128xi32, #tpu.memory_space<vmem>>) semaphore(%arg7 : memref<!tpu.dma_semaphore, #tpu.memory_space<semaphore_mem>>)
    %dma_start3A_96 = arith.constant 1 : i32
    %dma_start3A_97 = arith.constant 5 : i32
    %dma_start3A_98 = arith.constant 0 : i32
    %dma_start3A_99 = arith.constant 0 : i32
    %dma_start3A_100 = tpu.memref_slice %arg6[%dma_start3A_97, %dma_start3A_98, %dma_start3A_99] : memref<8x128x64xf32, #tpu.memory_space<vmem>> -> memref<1x128x64xf32, #tpu.memory_space<vmem>>
    %dma_start3A_101 = tpu.memref_squeeze %dma_start3A_100 : memref<1x128x64xf32, #tpu.memory_space<vmem>> -> memref<128x64xf32, #tpu.memory_space<vmem>>
    %dma_start3A_102 = arith.constant 128 : i32
    %dma_start3A_103 = tpu.memref_slice %arg5[%dma_start3A_96, %dma_start3A_102] : memref<50x512xi32, #tpu.memory_space<vmem>> -> memref<1x128xi32, #tpu.memory_space<vmem>>
    %dma_start3A_104 = tpu.memref_squeeze %dma_start3A_103 : memref<1x128xi32, #tpu.memory_space<vmem>> -> memref<128xi32, #tpu.memory_space<vmem>>
    %dma_start3A_105 = arith.constant 0 : i32
    %dma_start3A_106 = arith.constant 0 : i32
    %dma_start3A_107 = tpu.memref_slice %arg3[%dma_start3A_105, %dma_start3A_106] : memref<1024000x64xf32, #tpu.memory_space<hbm>> -> memref<1024000x64xf32, #tpu.memory_space<hbm>>
    tpu.enqueue_indirect_dma source(%dma_start3A_107 : memref<1024000x64xf32, #tpu.memory_space<hbm>>) target(%dma_start3A_101 : memref<128x64xf32, #tpu.memory_space<vmem>>) offsets(%dma_start3A_104 : memref<128xi32, #tpu.memory_space<vmem>>) semaphore(%arg7 : memref<!tpu.dma_semaphore, #tpu.memory_space<semaphore_mem>>)
    %dma_start3A_108 = arith.constant 1 : i32
    %dma_start3A_109 = arith.constant 6 : i32
    %dma_start3A_110 = arith.constant 0 : i32
    %dma_start3A_111 = arith.constant 0 : i32
    %dma_start3A_112 = tpu.memref_slice %arg6[%dma_start3A_109, %dma_start3A_110, %dma_start3A_111] : memref<8x128x64xf32, #tpu.memory_space<vmem>> -> memref<1x128x64xf32, #tpu.memory_space<vmem>>
    %dma_start3A_113 = tpu.memref_squeeze %dma_start3A_112 : memref<1x128x64xf32, #tpu.memory_space<vmem>> -> memref<128x64xf32, #tpu.memory_space<vmem>>
    %dma_start3A_114 = arith.constant 256 : i32
    %dma_start3A_115 = tpu.memref_slice %arg5[%dma_start3A_108, %dma_start3A_114] : memref<50x512xi32, #tpu.memory_space<vmem>> -> memref<1x128xi32, #tpu.memory_space<vmem>>
    %dma_start3A_116 = tpu.memref_squeeze %dma_start3A_115 : memref<1x128xi32, #tpu.memory_space<vmem>> -> memref<128xi32, #tpu.memory_space<vmem>>
    %dma_start3A_117 = arith.constant 0 : i32
    %dma_start3A_118 = arith.constant 0 : i32
    %dma_start3A_119 = tpu.memref_slice %arg3[%dma_start3A_117, %dma_start3A_118] : memref<1024000x64xf32, #tpu.memory_space<hbm>> -> memref<1024000x64xf32, #tpu.memory_space<hbm>>
    tpu.enqueue_indirect_dma source(%dma_start3A_119 : memref<1024000x64xf32, #tpu.memory_space<hbm>>) target(%dma_start3A_113 : memref<128x64xf32, #tpu.memory_space<vmem>>) offsets(%dma_start3A_116 : memref<128xi32, #tpu.memory_space<vmem>>) semaphore(%arg7 : memref<!tpu.dma_semaphore, #tpu.memory_space<semaphore_mem>>)
    %dma_start3A_120 = arith.constant 1 : i32
    %dma_start3A_121 = arith.constant 7 : i32
    %dma_start3A_122 = arith.constant 0 : i32
    %dma_start3A_123 = arith.constant 0 : i32
    %dma_start3A_124 = tpu.memref_slice %arg6[%dma_start3A_121, %dma_start3A_122, %dma_start3A_123] : memref<8x128x64xf32, #tpu.memory_space<vmem>> -> memref<1x128x64xf32, #tpu.memory_space<vmem>>
    %dma_start3A_125 = tpu.memref_squeeze %dma_start3A_124 : memref<1x128x64xf32, #tpu.memory_space<vmem>> -> memref<128x64xf32, #tpu.memory_space<vmem>>
    %dma_start3A_126 = arith.constant 384 : i32
    %dma_start3A_127 = tpu.memref_slice %arg5[%dma_start3A_120, %dma_start3A_126] : memref<50x512xi32, #tpu.memory_space<vmem>> -> memref<1x128xi32, #tpu.memory_space<vmem>>
    %dma_start3A_128 = tpu.memref_squeeze %dma_start3A_127 : memref<1x128xi32, #tpu.memory_space<vmem>> -> memref<128xi32, #tpu.memory_space<vmem>>
    %dma_start3A_129 = arith.constant 0 : i32
    %dma_start3A_130 = arith.constant 0 : i32
    %dma_start3A_131 = tpu.memref_slice %arg3[%dma_start3A_129, %dma_start3A_130] : memref<1024000x64xf32, #tpu.memory_space<hbm>> -> memref<1024000x64xf32, #tpu.memory_space<hbm>>
    tpu.enqueue_indirect_dma source(%dma_start3A_131 : memref<1024000x64xf32, #tpu.memory_space<hbm>>) target(%dma_start3A_125 : memref<128x64xf32, #tpu.memory_space<vmem>>) offsets(%dma_start3A_128 : memref<128xi32, #tpu.memory_space<vmem>>) semaphore(%arg7 : memref<!tpu.dma_semaphore, #tpu.memory_space<semaphore_mem>>)
    %scan3A = arith.constant 0 : i32
    %scan3A_132 = arith.constant 0 : i32
    %scan3A_133 = arith.constant 25 : i32
    %scan3A_134 = arith.addi %scan3A_132, %scan3A_133 : i32
    %scan3A_135 = arith.constant 1 : i32
    %scan3A_136 = scf.for %scan3A_138 = %scan3A_132 to %scan3A_134 step %scan3A_135 iter_args(%scan3A_139 = %scan3A) -> (i32)  : i32 {
      %mul3A_140 = arith.constant 8 : i32
      %mul3A_141 = arith.muli %scan3A_138, %mul3A_140 : i32
      %add3A_142 = arith.constant 0 : i32
      %add3A_143 = arith.addi %mul3A_141, %add3A_142 : i32
      %jit3A_144 = arith.constant 4 : i32
      %div3A_145 = arith.divsi %add3A_143, %jit3A_144 : i32
      %sign3A_146 = arith.constant 0 : i32
      %sign3A_147 = arith.cmpi sgt, %add3A_143, %sign3A_146 : i32
      %sign3A_148 = arith.extui %sign3A_147 : i1 to i32
      %sign3A_149 = arith.constant 0 : i32
      %sign3A_150 = arith.cmpi slt, %add3A_143, %sign3A_149 : i32
      %sign3A_151 = arith.extui %sign3A_150 : i1 to i32
      %sign3A_152 = arith.subi %sign3A_148, %sign3A_151 : i32
      %sign3A_153 = arith.constant 0 : i32
      %sign3A_154 = arith.cmpi sgt, %jit3A_144, %sign3A_153 : i32
      %sign3A_155 = arith.extui %sign3A_154 : i1 to i32
      %sign3A_156 = arith.constant 0 : i32
      %sign3A_157 = arith.cmpi slt, %jit3A_144, %sign3A_156 : i32
      %sign3A_158 = arith.extui %sign3A_157 : i1 to i32
      %sign3A_159 = arith.subi %sign3A_155, %sign3A_158 : i32
      %ne3A_160 = arith.cmpi ne, %sign3A_152, %sign3A_159 : i32
      %rem3A_161 = arith.remsi %add3A_143, %jit3A_144 : i32
      %ne3A_162 = arith.constant 0 : i32
      %ne3A_163 = arith.cmpi ne, %rem3A_161, %ne3A_162 : i32
      %and3A_164 = arith.andi %ne3A_160, %ne3A_163 : i1
      %sub3A_165 = arith.constant 1 : i32
      %sub3A_166 = arith.subi %div3A_145, %sub3A_165 : i32
      %select_n3A_167 = arith.select %and3A_164, %sub3A_166, %div3A_145 : i32
      %jit3A_168 = arith.constant 4 : i32
      %eq3A_169 = arith.constant 0 : i32
      %eq3A_170 = arith.cmpi eq, %jit3A_168, %eq3A_169 : i32
      %jit3A_171 = arith.constant 1 : i32
      %select_n3A_172 = arith.select %eq3A_170, %jit3A_171, %jit3A_168 : i32
      %rem3A_173 = arith.remsi %add3A_143, %select_n3A_172 : i32
      %ne3A_174 = arith.constant 0 : i32
      %ne3A_175 = arith.cmpi ne, %rem3A_173, %ne3A_174 : i32
      %lt3A_176 = arith.constant 0 : i32
      %lt3A_177 = arith.cmpi slt, %rem3A_173, %lt3A_176 : i32
      %lt3A_178 = arith.constant 0 : i32
      %lt3A_179 = arith.cmpi slt, %select_n3A_172, %lt3A_178 : i32
      %ne3A_180 = arith.xori %lt3A_177, %lt3A_179 : i1
      %and3A_181 = arith.andi %ne3A_180, %ne3A_175 : i1
      %add3A_182 = arith.addi %rem3A_173, %select_n3A_172 : i32
      %select_n3A_183 = arith.select %and3A_181, %add3A_182, %rem3A_173 : i32
      %mul3A_184 = arith.constant 128 : i32
      %mul3A_185 = arith.muli %select_n3A_183, %mul3A_184 : i32
      %dma_wait3A = arith.constant 0 : i32
      %dma_wait3A_186 = arith.constant 0 : i32
      %dma_wait3A_187 = arith.constant 0 : i32
      %dma_wait3A_188 = arith.constant 0 : i32
      %dma_wait3A_189 = tpu.memref_slice %arg6[%dma_wait3A_186, %dma_wait3A_187, %dma_wait3A_188] : memref<8x128x64xf32, #tpu.memory_space<vmem>> -> memref<1x128x64xf32, #tpu.memory_space<vmem>>
      %dma_wait3A_190 = tpu.memref_squeeze %dma_wait3A_189 : memref<1x128x64xf32, #tpu.memory_space<vmem>> -> memref<128x64xf32, #tpu.memory_space<vmem>>
      %dma_wait3A_191 = arith.constant 0 : i32
      %dma_wait3A_192 = tpu.memref_slice %arg5[%dma_wait3A, %dma_wait3A_191] : memref<50x512xi32, #tpu.memory_space<vmem>> -> memref<1x128xi32, #tpu.memory_space<vmem>>
      %dma_wait3A_193 = tpu.memref_squeeze %dma_wait3A_192 : memref<1x128xi32, #tpu.memory_space<vmem>> -> memref<128xi32, #tpu.memory_space<vmem>>
      %dma_wait3A_194 = arith.constant 0 : i32
      %dma_wait3A_195 = arith.constant 0 : i32
      %dma_wait3A_196 = tpu.memref_slice %arg3[%dma_wait3A_194, %dma_wait3A_195] : memref<1024000x64xf32, #tpu.memory_space<hbm>> -> memref<1024000x64xf32, #tpu.memory_space<hbm>>
      tpu.wait_indirect_dma semaphore(%arg7 : memref<!tpu.dma_semaphore, #tpu.memory_space<semaphore_mem>>) src(%dma_wait3A_196 : memref<1024000x64xf32, #tpu.memory_space<hbm>>) dst(%dma_wait3A_190 : memref<128x64xf32, #tpu.memory_space<vmem>>)
      %add3A_197 = arith.addi %mul3A_20, %mul3A_185 : i32
      %run_scoped3A = arith.constant 0 : i32
      "tpu.region"() ({
        %run_scoped3A_659 = tpu.sem_alloc : memref<!tpu.dma_semaphore, #tpu.memory_space<semaphore_mem>>
        %dma_start3A_660 = arith.constant 0 : i32
        %dma_start3A_661 = arith.constant 0 : i32
        %dma_start3A_662 = tpu.memref_slice %arg6[%run_scoped3A, %dma_start3A_660, %dma_start3A_661] : memref<8x128x64xf32, #tpu.memory_space<vmem>> -> memref<1x128x64xf32, #tpu.memory_space<vmem>>
        %dma_start3A_663 = tpu.memref_squeeze %dma_start3A_662 : memref<1x128x64xf32, #tpu.memory_space<vmem>> -> memref<128x64xf32, #tpu.memory_space<vmem>>
        %dma_start3A_664 = tpu.memref_slice %arg4[%select_n3A_167, %add3A_197, %mul3A_36] : memref<50x8192x128xf32, #tpu.memory_space<hbm>> -> memref<1x128x64xf32, #tpu.memory_space<hbm>>
        %dma_start3A_665 = tpu.memref_squeeze %dma_start3A_664 : memref<1x128x64xf32, #tpu.memory_space<hbm>> -> memref<128x64xf32, #tpu.memory_space<hbm>>
        %dma_start3A_666 = tpu.memref_slice %arg4[%select_n3A_167, %add3A_197, %mul3A_36] : memref<50x8192x128xf32, #tpu.memory_space<hbm>> -> memref<1x128x64xf32, #tpu.memory_space<hbm>>
        %dma_start3A_667 = tpu.memref_squeeze %dma_start3A_666 : memref<1x128x64xf32, #tpu.memory_space<hbm>> -> memref<128x64xf32, #tpu.memory_space<hbm>>
        %dma_start3A_668 = arith.constant 0 : i32
        %dma_start3A_669 = arith.constant 0 : i32
        %dma_start3A_670 = tpu.memref_slice %arg6[%run_scoped3A, %dma_start3A_668, %dma_start3A_669] : memref<8x128x64xf32, #tpu.memory_space<vmem>> -> memref<1x128x64xf32, #tpu.memory_space<vmem>>
        %dma_start3A_671 = tpu.memref_squeeze %dma_start3A_670 : memref<1x128x64xf32, #tpu.memory_space<vmem>> -> memref<128x64xf32, #tpu.memory_space<vmem>>
        tpu.enqueue_dma source(%dma_start3A_671 : memref<128x64xf32, #tpu.memory_space<vmem>>) target(%dma_start3A_667 : memref<128x64xf32, #tpu.memory_space<hbm>>) target_semaphore(%run_scoped3A_659 : memref<!tpu.dma_semaphore, #tpu.memory_space<semaphore_mem>>)
        %dma_wait3A_672 = arith.constant 0 : i32
        %dma_wait3A_673 = arith.constant 0 : i32
        %dma_wait3A_674 = tpu.memref_slice %arg6[%run_scoped3A, %dma_wait3A_672, %dma_wait3A_673] : memref<8x128x64xf32, #tpu.memory_space<vmem>> -> memref<1x128x64xf32, #tpu.memory_space<vmem>>
        %dma_wait3A_675 = tpu.memref_squeeze %dma_wait3A_674 : memref<1x128x64xf32, #tpu.memory_space<vmem>> -> memref<128x64xf32, #tpu.memory_space<vmem>>
        %dma_wait3A_676 = tpu.memref_slice %arg4[%select_n3A_167, %add3A_197, %mul3A_36] : memref<50x8192x128xf32, #tpu.memory_space<hbm>> -> memref<1x128x64xf32, #tpu.memory_space<hbm>>
        %dma_wait3A_677 = tpu.memref_squeeze %dma_wait3A_676 : memref<1x128x64xf32, #tpu.memory_space<hbm>> -> memref<128x64xf32, #tpu.memory_space<hbm>>
        %dma_wait3A_678 = tpu.memref_slice %arg4[%select_n3A_167, %add3A_197, %mul3A_36] : memref<50x8192x128xf32, #tpu.memory_space<hbm>> -> memref<1x128x64xf32, #tpu.memory_space<hbm>>
        %dma_wait3A_679 = tpu.memref_squeeze %dma_wait3A_678 : memref<1x128x64xf32, #tpu.memory_space<hbm>> -> memref<128x64xf32, #tpu.memory_space<hbm>>
        %dma_wait3A_680 = arith.constant 0 : i32
        %dma_wait3A_681 = arith.constant 0 : i32
        %dma_wait3A_682 = tpu.memref_slice %arg6[%run_scoped3A, %dma_wait3A_680, %dma_wait3A_681] : memref<8x128x64xf32, #tpu.memory_space<vmem>> -> memref<1x128x64xf32, #tpu.memory_space<vmem>>
        %dma_wait3A_683 = tpu.memref_squeeze %dma_wait3A_682 : memref<1x128x64xf32, #tpu.memory_space<vmem>> -> memref<128x64xf32, #tpu.memory_space<vmem>>
        tpu.wait_dma2 semaphore(%run_scoped3A_659 : memref<!tpu.dma_semaphore, #tpu.memory_space<semaphore_mem>>) src(%dma_wait3A_683 : memref<128x64xf32, #tpu.memory_space<vmem>>) dst(%dma_wait3A_679 : memref<128x64xf32, #tpu.memory_space<hbm>>)
        tpu.yield
      }) : () -> ()
      %add3A_198 = arith.constant 8 : i32
      %add3A_199 = arith.addi %add3A_143, %add3A_198 : i32
      %lt3A_200 = arith.constant 200 : i32
      %lt3A_201 = arith.cmpi slt, %add3A_199, %lt3A_200 : i32
      %convert_element_type3A = arith.extui %lt3A_201 : i1 to i32
      %cond3A = arith.constant 0 : i32
      %cond3A_202 = arith.cmpi ne, %convert_element_type3A, %cond3A : i32
      scf.if %cond3A_202 {
        %jit3A_659 = arith.constant 4 : i32
        %div3A_660 = arith.divsi %add3A_199, %jit3A_659 : i32
        %sign3A_661 = arith.constant 0 : i32
        %sign3A_662 = arith.cmpi sgt, %add3A_199, %sign3A_661 : i32
        %sign3A_663 = arith.extui %sign3A_662 : i1 to i32
        %sign3A_664 = arith.constant 0 : i32
        %sign3A_665 = arith.cmpi slt, %add3A_199, %sign3A_664 : i32
        %sign3A_666 = arith.extui %sign3A_665 : i1 to i32
        %sign3A_667 = arith.subi %sign3A_663, %sign3A_666 : i32
        %sign3A_668 = arith.constant 0 : i32
        %sign3A_669 = arith.cmpi sgt, %jit3A_659, %sign3A_668 : i32
        %sign3A_670 = arith.extui %sign3A_669 : i1 to i32
        %sign3A_671 = arith.constant 0 : i32
        %sign3A_672 = arith.cmpi slt, %jit3A_659, %sign3A_671 : i32
        %sign3A_673 = arith.extui %sign3A_672 : i1 to i32
        %sign3A_674 = arith.subi %sign3A_670, %sign3A_673 : i32
        %ne3A_675 = arith.cmpi ne, %sign3A_667, %sign3A_674 : i32
        %rem3A_676 = arith.remsi %add3A_199, %jit3A_659 : i32
        %ne3A_677 = arith.constant 0 : i32
        %ne3A_678 = arith.cmpi ne, %rem3A_676, %ne3A_677 : i32
        %and3A_679 = arith.andi %ne3A_675, %ne3A_678 : i1
        %sub3A_680 = arith.constant 1 : i32
        %sub3A_681 = arith.subi %div3A_660, %sub3A_680 : i32
        %select_n3A_682 = arith.select %and3A_679, %sub3A_681, %div3A_660 : i32
        %jit3A_683 = arith.constant 4 : i32
        %eq3A_684 = arith.constant 0 : i32
        %eq3A_685 = arith.cmpi eq, %jit3A_683, %eq3A_684 : i32
        %jit3A_686 = arith.constant 1 : i32
        %select_n3A_687 = arith.select %eq3A_685, %jit3A_686, %jit3A_683 : i32
        %rem3A_688 = arith.remsi %add3A_199, %select_n3A_687 : i32
        %ne3A_689 = arith.constant 0 : i32
        %ne3A_690 = arith.cmpi ne, %rem3A_688, %ne3A_689 : i32
        %lt3A_691 = arith.constant 0 : i32
        %lt3A_692 = arith.cmpi slt, %rem3A_688, %lt3A_691 : i32
        %lt3A_693 = arith.constant 0 : i32
        %lt3A_694 = arith.cmpi slt, %select_n3A_687, %lt3A_693 : i32
        %ne3A_695 = arith.xori %lt3A_692, %lt3A_694 : i1
        %and3A_696 = arith.andi %ne3A_695, %ne3A_690 : i1
        %add3A_697 = arith.addi %rem3A_688, %select_n3A_687 : i32
        %select_n3A_698 = arith.select %and3A_696, %add3A_697, %rem3A_688 : i32
        %mul3A_699 = arith.constant 128 : i32
        %mul3A_700 = arith.muli %select_n3A_698, %mul3A_699 : i32
        %dma_start3A_701 = arith.constant 0 : i32
        %dma_start3A_702 = arith.constant 0 : i32
        %dma_start3A_703 = arith.constant 0 : i32
        %dma_start3A_704 = tpu.memref_slice %arg6[%dma_start3A_701, %dma_start3A_702, %dma_start3A_703] : memref<8x128x64xf32, #tpu.memory_space<vmem>> -> memref<1x128x64xf32, #tpu.memory_space<vmem>>
        %dma_start3A_705 = tpu.memref_squeeze %dma_start3A_704 : memref<1x128x64xf32, #tpu.memory_space<vmem>> -> memref<128x64xf32, #tpu.memory_space<vmem>>
        %dma_start3A_706 = tpu.memref_slice %arg5[%select_n3A_682, %mul3A_700] : memref<50x512xi32, #tpu.memory_space<vmem>> -> memref<1x128xi32, #tpu.memory_space<vmem>>
        %dma_start3A_707 = tpu.memref_squeeze %dma_start3A_706 : memref<1x128xi32, #tpu.memory_space<vmem>> -> memref<128xi32, #tpu.memory_space<vmem>>
        %dma_start3A_708 = arith.constant 0 : i32
        %dma_start3A_709 = arith.constant 0 : i32
        %dma_start3A_710 = tpu.memref_slice %arg3[%dma_start3A_708, %dma_start3A_709] : memref<1024000x64xf32, #tpu.memory_space<hbm>> -> memref<1024000x64xf32, #tpu.memory_space<hbm>>
        tpu.enqueue_indirect_dma source(%dma_start3A_710 : memref<1024000x64xf32, #tpu.memory_space<hbm>>) target(%dma_start3A_705 : memref<128x64xf32, #tpu.memory_space<vmem>>) offsets(%dma_start3A_707 : memref<128xi32, #tpu.memory_space<vmem>>) semaphore(%arg7 : memref<!tpu.dma_semaphore, #tpu.memory_space<semaphore_mem>>)
      } else {
      }
      %add3A_203 = arith.constant 1 : i32
      %add3A_204 = arith.addi %mul3A_141, %add3A_203 : i32
      %jit3A_205 = arith.constant 4 : i32
      %div3A_206 = arith.divsi %add3A_204, %jit3A_205 : i32
      %sign3A_207 = arith.constant 0 : i32
      %sign3A_208 = arith.cmpi sgt, %add3A_204, %sign3A_207 : i32
      %sign3A_209 = arith.extui %sign3A_208 : i1 to i32
      %sign3A_210 = arith.constant 0 : i32
      %sign3A_211 = arith.cmpi slt, %add3A_204, %sign3A_210 : i32
      %sign3A_212 = arith.extui %sign3A_211 : i1 to i32
      %sign3A_213 = arith.subi %sign3A_209, %sign3A_212 : i32
      %sign3A_214 = arith.constant 0 : i32
      %sign3A_215 = arith.cmpi sgt, %jit3A_205, %sign3A_214 : i32
      %sign3A_216 = arith.extui %sign3A_215 : i1 to i32
      %sign3A_217 = arith.constant 0 : i32
      %sign3A_218 = arith.cmpi slt, %jit3A_205, %sign3A_217 : i32
      %sign3A_219 = arith.extui %sign3A_218 : i1 to i32
      %sign3A_220 = arith.subi %sign3A_216, %sign3A_219 : i32
      %ne3A_221 = arith.cmpi ne, %sign3A_213, %sign3A_220 : i32
      %rem3A_222 = arith.remsi %add3A_204, %jit3A_205 : i32
      %ne3A_223 = arith.constant 0 : i32
      %ne3A_224 = arith.cmpi ne, %rem3A_222, %ne3A_223 : i32
      %and3A_225 = arith.andi %ne3A_221, %ne3A_224 : i1
      %sub3A_226 = arith.constant 1 : i32
      %sub3A_227 = arith.subi %div3A_206, %sub3A_226 : i32
      %select_n3A_228 = arith.select %and3A_225, %sub3A_227, %div3A_206 : i32
      %jit3A_229 = arith.constant 4 : i32
      %eq3A_230 = arith.constant 0 : i32
      %eq3A_231 = arith.cmpi eq, %jit3A_229, %eq3A_230 : i32
      %jit3A_232 = arith.constant 1 : i32
      %select_n3A_233 = arith.select %eq3A_231, %jit3A_232, %jit3A_229 : i32
      %rem3A_234 = arith.remsi %add3A_204, %select_n3A_233 : i32
      %ne3A_235 = arith.constant 0 : i32
      %ne3A_236 = arith.cmpi ne, %rem3A_234, %ne3A_235 : i32
      %lt3A_237 = arith.constant 0 : i32
      %lt3A_238 = arith.cmpi slt, %rem3A_234, %lt3A_237 : i32
      %lt3A_239 = arith.constant 0 : i32
      %lt3A_240 = arith.cmpi slt, %select_n3A_233, %lt3A_239 : i32
      %ne3A_241 = arith.xori %lt3A_238, %lt3A_240 : i1
      %and3A_242 = arith.andi %ne3A_241, %ne3A_236 : i1
      %add3A_243 = arith.addi %rem3A_234, %select_n3A_233 : i32
      %select_n3A_244 = arith.select %and3A_242, %add3A_243, %rem3A_234 : i32
      %mul3A_245 = arith.constant 128 : i32
      %mul3A_246 = arith.muli %select_n3A_244, %mul3A_245 : i32
      %dma_wait3A_247 = arith.constant 0 : i32
      %dma_wait3A_248 = arith.constant 1 : i32
      %dma_wait3A_249 = arith.constant 0 : i32
      %dma_wait3A_250 = arith.constant 0 : i32
      %dma_wait3A_251 = tpu.memref_slice %arg6[%dma_wait3A_248, %dma_wait3A_249, %dma_wait3A_250] : memref<8x128x64xf32, #tpu.memory_space<vmem>> -> memref<1x128x64xf32, #tpu.memory_space<vmem>>
      %dma_wait3A_252 = tpu.memref_squeeze %dma_wait3A_251 : memref<1x128x64xf32, #tpu.memory_space<vmem>> -> memref<128x64xf32, #tpu.memory_space<vmem>>
      %dma_wait3A_253 = arith.constant 0 : i32
      %dma_wait3A_254 = tpu.memref_slice %arg5[%dma_wait3A_247, %dma_wait3A_253] : memref<50x512xi32, #tpu.memory_space<vmem>> -> memref<1x128xi32, #tpu.memory_space<vmem>>
      %dma_wait3A_255 = tpu.memref_squeeze %dma_wait3A_254 : memref<1x128xi32, #tpu.memory_space<vmem>> -> memref<128xi32, #tpu.memory_space<vmem>>
      %dma_wait3A_256 = arith.constant 0 : i32
      %dma_wait3A_257 = arith.constant 0 : i32
      %dma_wait3A_258 = tpu.memref_slice %arg3[%dma_wait3A_256, %dma_wait3A_257] : memref<1024000x64xf32, #tpu.memory_space<hbm>> -> memref<1024000x64xf32, #tpu.memory_space<hbm>>
      tpu.wait_indirect_dma semaphore(%arg7 : memref<!tpu.dma_semaphore, #tpu.memory_space<semaphore_mem>>) src(%dma_wait3A_258 : memref<1024000x64xf32, #tpu.memory_space<hbm>>) dst(%dma_wait3A_252 : memref<128x64xf32, #tpu.memory_space<vmem>>)
      %add3A_259 = arith.addi %mul3A_20, %mul3A_246 : i32
      %run_scoped3A_260 = arith.constant 1 : i32
      "tpu.region"() ({
        %run_scoped3A_659 = tpu.sem_alloc : memref<!tpu.dma_semaphore, #tpu.memory_space<semaphore_mem>>
        %dma_start3A_660 = arith.constant 0 : i32
        %dma_start3A_661 = arith.constant 0 : i32
        %dma_start3A_662 = tpu.memref_slice %arg6[%run_scoped3A_260, %dma_start3A_660, %dma_start3A_661] : memref<8x128x64xf32, #tpu.memory_space<vmem>> -> memref<1x128x64xf32, #tpu.memory_space<vmem>>
        %dma_start3A_663 = tpu.memref_squeeze %dma_start3A_662 : memref<1x128x64xf32, #tpu.memory_space<vmem>> -> memref<128x64xf32, #tpu.memory_space<vmem>>
        %dma_start3A_664 = tpu.memref_slice %arg4[%select_n3A_228, %add3A_259, %mul3A_36] : memref<50x8192x128xf32, #tpu.memory_space<hbm>> -> memref<1x128x64xf32, #tpu.memory_space<hbm>>
        %dma_start3A_665 = tpu.memref_squeeze %dma_start3A_664 : memref<1x128x64xf32, #tpu.memory_space<hbm>> -> memref<128x64xf32, #tpu.memory_space<hbm>>
        %dma_start3A_666 = tpu.memref_slice %arg4[%select_n3A_228, %add3A_259, %mul3A_36] : memref<50x8192x128xf32, #tpu.memory_space<hbm>> -> memref<1x128x64xf32, #tpu.memory_space<hbm>>
        %dma_start3A_667 = tpu.memref_squeeze %dma_start3A_666 : memref<1x128x64xf32, #tpu.memory_space<hbm>> -> memref<128x64xf32, #tpu.memory_space<hbm>>
        %dma_start3A_668 = arith.constant 0 : i32
        %dma_start3A_669 = arith.constant 0 : i32
        %dma_start3A_670 = tpu.memref_slice %arg6[%run_scoped3A_260, %dma_start3A_668, %dma_start3A_669] : memref<8x128x64xf32, #tpu.memory_space<vmem>> -> memref<1x128x64xf32, #tpu.memory_space<vmem>>
        %dma_start3A_671 = tpu.memref_squeeze %dma_start3A_670 : memref<1x128x64xf32, #tpu.memory_space<vmem>> -> memref<128x64xf32, #tpu.memory_space<vmem>>
        tpu.enqueue_dma source(%dma_start3A_671 : memref<128x64xf32, #tpu.memory_space<vmem>>) target(%dma_start3A_667 : memref<128x64xf32, #tpu.memory_space<hbm>>) target_semaphore(%run_scoped3A_659 : memref<!tpu.dma_semaphore, #tpu.memory_space<semaphore_mem>>)
        %dma_wait3A_672 = arith.constant 0 : i32
        %dma_wait3A_673 = arith.constant 0 : i32
        %dma_wait3A_674 = tpu.memref_slice %arg6[%run_scoped3A_260, %dma_wait3A_672, %dma_wait3A_673] : memref<8x128x64xf32, #tpu.memory_space<vmem>> -> memref<1x128x64xf32, #tpu.memory_space<vmem>>
        %dma_wait3A_675 = tpu.memref_squeeze %dma_wait3A_674 : memref<1x128x64xf32, #tpu.memory_space<vmem>> -> memref<128x64xf32, #tpu.memory_space<vmem>>
        %dma_wait3A_676 = tpu.memref_slice %arg4[%select_n3A_228, %add3A_259, %mul3A_36] : memref<50x8192x128xf32, #tpu.memory_space<hbm>> -> memref<1x128x64xf32, #tpu.memory_space<hbm>>
        %dma_wait3A_677 = tpu.memref_squeeze %dma_wait3A_676 : memref<1x128x64xf32, #tpu.memory_space<hbm>> -> memref<128x64xf32, #tpu.memory_space<hbm>>
        %dma_wait3A_678 = tpu.memref_slice %arg4[%select_n3A_228, %add3A_259, %mul3A_36] : memref<50x8192x128xf32, #tpu.memory_space<hbm>> -> memref<1x128x64xf32, #tpu.memory_space<hbm>>
        %dma_wait3A_679 = tpu.memref_squeeze %dma_wait3A_678 : memref<1x128x64xf32, #tpu.memory_space<hbm>> -> memref<128x64xf32, #tpu.memory_space<hbm>>
        %dma_wait3A_680 = arith.constant 0 : i32
        %dma_wait3A_681 = arith.constant 0 : i32
        %dma_wait3A_682 = tpu.memref_slice %arg6[%run_scoped3A_260, %dma_wait3A_680, %dma_wait3A_681] : memref<8x128x64xf32, #tpu.memory_space<vmem>> -> memref<1x128x64xf32, #tpu.memory_space<vmem>>
        %dma_wait3A_683 = tpu.memref_squeeze %dma_wait3A_682 : memref<1x128x64xf32, #tpu.memory_space<vmem>> -> memref<128x64xf32, #tpu.memory_space<vmem>>
        tpu.wait_dma2 semaphore(%run_scoped3A_659 : memref<!tpu.dma_semaphore, #tpu.memory_space<semaphore_mem>>) src(%dma_wait3A_683 : memref<128x64xf32, #tpu.memory_space<vmem>>) dst(%dma_wait3A_679 : memref<128x64xf32, #tpu.memory_space<hbm>>)
        tpu.yield
      }) : () -> ()
      %add3A_261 = arith.constant 8 : i32
      %add3A_262 = arith.addi %add3A_204, %add3A_261 : i32
      %lt3A_263 = arith.constant 200 : i32
      %lt3A_264 = arith.cmpi slt, %add3A_262, %lt3A_263 : i32
      %convert_element_type3A_265 = arith.extui %lt3A_264 : i1 to i32
      %cond3A_266 = arith.constant 0 : i32
      %cond3A_267 = arith.cmpi ne, %convert_element_type3A_265, %cond3A_266 : i32
      scf.if %cond3A_267 {
        %jit3A_659 = arith.constant 4 : i32
        %div3A_660 = arith.divsi %add3A_262, %jit3A_659 : i32
        %sign3A_661 = arith.constant 0 : i32
        %sign3A_662 = arith.cmpi sgt, %add3A_262, %sign3A_661 : i32
        %sign3A_663 = arith.extui %sign3A_662 : i1 to i32
        %sign3A_664 = arith.constant 0 : i32
        %sign3A_665 = arith.cmpi slt, %add3A_262, %sign3A_664 : i32
        %sign3A_666 = arith.extui %sign3A_665 : i1 to i32
        %sign3A_667 = arith.subi %sign3A_663, %sign3A_666 : i32
        %sign3A_668 = arith.constant 0 : i32
        %sign3A_669 = arith.cmpi sgt, %jit3A_659, %sign3A_668 : i32
        %sign3A_670 = arith.extui %sign3A_669 : i1 to i32
        %sign3A_671 = arith.constant 0 : i32
        %sign3A_672 = arith.cmpi slt, %jit3A_659, %sign3A_671 : i32
        %sign3A_673 = arith.extui %sign3A_672 : i1 to i32
        %sign3A_674 = arith.subi %sign3A_670, %sign3A_673 : i32
        %ne3A_675 = arith.cmpi ne, %sign3A_667, %sign3A_674 : i32
        %rem3A_676 = arith.remsi %add3A_262, %jit3A_659 : i32
        %ne3A_677 = arith.constant 0 : i32
        %ne3A_678 = arith.cmpi ne, %rem3A_676, %ne3A_677 : i32
        %and3A_679 = arith.andi %ne3A_675, %ne3A_678 : i1
        %sub3A_680 = arith.constant 1 : i32
        %sub3A_681 = arith.subi %div3A_660, %sub3A_680 : i32
        %select_n3A_682 = arith.select %and3A_679, %sub3A_681, %div3A_660 : i32
        %jit3A_683 = arith.constant 4 : i32
        %eq3A_684 = arith.constant 0 : i32
        %eq3A_685 = arith.cmpi eq, %jit3A_683, %eq3A_684 : i32
        %jit3A_686 = arith.constant 1 : i32
        %select_n3A_687 = arith.select %eq3A_685, %jit3A_686, %jit3A_683 : i32
        %rem3A_688 = arith.remsi %add3A_262, %select_n3A_687 : i32
        %ne3A_689 = arith.constant 0 : i32
        %ne3A_690 = arith.cmpi ne, %rem3A_688, %ne3A_689 : i32
        %lt3A_691 = arith.constant 0 : i32
        %lt3A_692 = arith.cmpi slt, %rem3A_688, %lt3A_691 : i32
        %lt3A_693 = arith.constant 0 : i32
        %lt3A_694 = arith.cmpi slt, %select_n3A_687, %lt3A_693 : i32
        %ne3A_695 = arith.xori %lt3A_692, %lt3A_694 : i1
        %and3A_696 = arith.andi %ne3A_695, %ne3A_690 : i1
        %add3A_697 = arith.addi %rem3A_688, %select_n3A_687 : i32
        %select_n3A_698 = arith.select %and3A_696, %add3A_697, %rem3A_688 : i32
        %mul3A_699 = arith.constant 128 : i32
        %mul3A_700 = arith.muli %select_n3A_698, %mul3A_699 : i32
        %dma_start3A_701 = arith.constant 1 : i32
        %dma_start3A_702 = arith.constant 0 : i32
        %dma_start3A_703 = arith.constant 0 : i32
        %dma_start3A_704 = tpu.memref_slice %arg6[%dma_start3A_701, %dma_start3A_702, %dma_start3A_703] : memref<8x128x64xf32, #tpu.memory_space<vmem>> -> memref<1x128x64xf32, #tpu.memory_space<vmem>>
        %dma_start3A_705 = tpu.memref_squeeze %dma_start3A_704 : memref<1x128x64xf32, #tpu.memory_space<vmem>> -> memref<128x64xf32, #tpu.memory_space<vmem>>
        %dma_start3A_706 = tpu.memref_slice %arg5[%select_n3A_682, %mul3A_700] : memref<50x512xi32, #tpu.memory_space<vmem>> -> memref<1x128xi32, #tpu.memory_space<vmem>>
        %dma_start3A_707 = tpu.memref_squeeze %dma_start3A_706 : memref<1x128xi32, #tpu.memory_space<vmem>> -> memref<128xi32, #tpu.memory_space<vmem>>
        %dma_start3A_708 = arith.constant 0 : i32
        %dma_start3A_709 = arith.constant 0 : i32
        %dma_start3A_710 = tpu.memref_slice %arg3[%dma_start3A_708, %dma_start3A_709] : memref<1024000x64xf32, #tpu.memory_space<hbm>> -> memref<1024000x64xf32, #tpu.memory_space<hbm>>
        tpu.enqueue_indirect_dma source(%dma_start3A_710 : memref<1024000x64xf32, #tpu.memory_space<hbm>>) target(%dma_start3A_705 : memref<128x64xf32, #tpu.memory_space<vmem>>) offsets(%dma_start3A_707 : memref<128xi32, #tpu.memory_space<vmem>>) semaphore(%arg7 : memref<!tpu.dma_semaphore, #tpu.memory_space<semaphore_mem>>)
      } else {
      }
      %add3A_268 = arith.constant 2 : i32
      %add3A_269 = arith.addi %mul3A_141, %add3A_268 : i32
      %jit3A_270 = arith.constant 4 : i32
      %div3A_271 = arith.divsi %add3A_269, %jit3A_270 : i32
      %sign3A_272 = arith.constant 0 : i32
      %sign3A_273 = arith.cmpi sgt, %add3A_269, %sign3A_272 : i32
      %sign3A_274 = arith.extui %sign3A_273 : i1 to i32
      %sign3A_275 = arith.constant 0 : i32
      %sign3A_276 = arith.cmpi slt, %add3A_269, %sign3A_275 : i32
      %sign3A_277 = arith.extui %sign3A_276 : i1 to i32
      %sign3A_278 = arith.subi %sign3A_274, %sign3A_277 : i32
      %sign3A_279 = arith.constant 0 : i32
      %sign3A_280 = arith.cmpi sgt, %jit3A_270, %sign3A_279 : i32
      %sign3A_281 = arith.extui %sign3A_280 : i1 to i32
      %sign3A_282 = arith.constant 0 : i32
      %sign3A_283 = arith.cmpi slt, %jit3A_270, %sign3A_282 : i32
      %sign3A_284 = arith.extui %sign3A_283 : i1 to i32
      %sign3A_285 = arith.subi %sign3A_281, %sign3A_284 : i32
      %ne3A_286 = arith.cmpi ne, %sign3A_278, %sign3A_285 : i32
      %rem3A_287 = arith.remsi %add3A_269, %jit3A_270 : i32
      %ne3A_288 = arith.constant 0 : i32
      %ne3A_289 = arith.cmpi ne, %rem3A_287, %ne3A_288 : i32
      %and3A_290 = arith.andi %ne3A_286, %ne3A_289 : i1
      %sub3A_291 = arith.constant 1 : i32
      %sub3A_292 = arith.subi %div3A_271, %sub3A_291 : i32
      %select_n3A_293 = arith.select %and3A_290, %sub3A_292, %div3A_271 : i32
      %jit3A_294 = arith.constant 4 : i32
      %eq3A_295 = arith.constant 0 : i32
      %eq3A_296 = arith.cmpi eq, %jit3A_294, %eq3A_295 : i32
      %jit3A_297 = arith.constant 1 : i32
      %select_n3A_298 = arith.select %eq3A_296, %jit3A_297, %jit3A_294 : i32
      %rem3A_299 = arith.remsi %add3A_269, %select_n3A_298 : i32
      %ne3A_300 = arith.constant 0 : i32
      %ne3A_301 = arith.cmpi ne, %rem3A_299, %ne3A_300 : i32
      %lt3A_302 = arith.constant 0 : i32
      %lt3A_303 = arith.cmpi slt, %rem3A_299, %lt3A_302 : i32
      %lt3A_304 = arith.constant 0 : i32
      %lt3A_305 = arith.cmpi slt, %select_n3A_298, %lt3A_304 : i32
      %ne3A_306 = arith.xori %lt3A_303, %lt3A_305 : i1
      %and3A_307 = arith.andi %ne3A_306, %ne3A_301 : i1
      %add3A_308 = arith.addi %rem3A_299, %select_n3A_298 : i32
      %select_n3A_309 = arith.select %and3A_307, %add3A_308, %rem3A_299 : i32
      %mul3A_310 = arith.constant 128 : i32
      %mul3A_311 = arith.muli %select_n3A_309, %mul3A_310 : i32
      %dma_wait3A_312 = arith.constant 0 : i32
      %dma_wait3A_313 = arith.constant 2 : i32
      %dma_wait3A_314 = arith.constant 0 : i32
      %dma_wait3A_315 = arith.constant 0 : i32
      %dma_wait3A_316 = tpu.memref_slice %arg6[%dma_wait3A_313, %dma_wait3A_314, %dma_wait3A_315] : memref<8x128x64xf32, #tpu.memory_space<vmem>> -> memref<1x128x64xf32, #tpu.memory_space<vmem>>
      %dma_wait3A_317 = tpu.memref_squeeze %dma_wait3A_316 : memref<1x128x64xf32, #tpu.memory_space<vmem>> -> memref<128x64xf32, #tpu.memory_space<vmem>>
      %dma_wait3A_318 = arith.constant 0 : i32
      %dma_wait3A_319 = tpu.memref_slice %arg5[%dma_wait3A_312, %dma_wait3A_318] : memref<50x512xi32, #tpu.memory_space<vmem>> -> memref<1x128xi32, #tpu.memory_space<vmem>>
      %dma_wait3A_320 = tpu.memref_squeeze %dma_wait3A_319 : memref<1x128xi32, #tpu.memory_space<vmem>> -> memref<128xi32, #tpu.memory_space<vmem>>
      %dma_wait3A_321 = arith.constant 0 : i32
      %dma_wait3A_322 = arith.constant 0 : i32
      %dma_wait3A_323 = tpu.memref_slice %arg3[%dma_wait3A_321, %dma_wait3A_322] : memref<1024000x64xf32, #tpu.memory_space<hbm>> -> memref<1024000x64xf32, #tpu.memory_space<hbm>>
      tpu.wait_indirect_dma semaphore(%arg7 : memref<!tpu.dma_semaphore, #tpu.memory_space<semaphore_mem>>) src(%dma_wait3A_323 : memref<1024000x64xf32, #tpu.memory_space<hbm>>) dst(%dma_wait3A_317 : memref<128x64xf32, #tpu.memory_space<vmem>>)
      %add3A_324 = arith.addi %mul3A_20, %mul3A_311 : i32
      %run_scoped3A_325 = arith.constant 2 : i32
      "tpu.region"() ({
        %run_scoped3A_659 = tpu.sem_alloc : memref<!tpu.dma_semaphore, #tpu.memory_space<semaphore_mem>>
        %dma_start3A_660 = arith.constant 0 : i32
        %dma_start3A_661 = arith.constant 0 : i32
        %dma_start3A_662 = tpu.memref_slice %arg6[%run_scoped3A_325, %dma_start3A_660, %dma_start3A_661] : memref<8x128x64xf32, #tpu.memory_space<vmem>> -> memref<1x128x64xf32, #tpu.memory_space<vmem>>
        %dma_start3A_663 = tpu.memref_squeeze %dma_start3A_662 : memref<1x128x64xf32, #tpu.memory_space<vmem>> -> memref<128x64xf32, #tpu.memory_space<vmem>>
        %dma_start3A_664 = tpu.memref_slice %arg4[%select_n3A_293, %add3A_324, %mul3A_36] : memref<50x8192x128xf32, #tpu.memory_space<hbm>> -> memref<1x128x64xf32, #tpu.memory_space<hbm>>
        %dma_start3A_665 = tpu.memref_squeeze %dma_start3A_664 : memref<1x128x64xf32, #tpu.memory_space<hbm>> -> memref<128x64xf32, #tpu.memory_space<hbm>>
        %dma_start3A_666 = tpu.memref_slice %arg4[%select_n3A_293, %add3A_324, %mul3A_36] : memref<50x8192x128xf32, #tpu.memory_space<hbm>> -> memref<1x128x64xf32, #tpu.memory_space<hbm>>
        %dma_start3A_667 = tpu.memref_squeeze %dma_start3A_666 : memref<1x128x64xf32, #tpu.memory_space<hbm>> -> memref<128x64xf32, #tpu.memory_space<hbm>>
        %dma_start3A_668 = arith.constant 0 : i32
        %dma_start3A_669 = arith.constant 0 : i32
        %dma_start3A_670 = tpu.memref_slice %arg6[%run_scoped3A_325, %dma_start3A_668, %dma_start3A_669] : memref<8x128x64xf32, #tpu.memory_space<vmem>> -> memref<1x128x64xf32, #tpu.memory_space<vmem>>
        %dma_start3A_671 = tpu.memref_squeeze %dma_start3A_670 : memref<1x128x64xf32, #tpu.memory_space<vmem>> -> memref<128x64xf32, #tpu.memory_space<vmem>>
        tpu.enqueue_dma source(%dma_start3A_671 : memref<128x64xf32, #tpu.memory_space<vmem>>) target(%dma_start3A_667 : memref<128x64xf32, #tpu.memory_space<hbm>>) target_semaphore(%run_scoped3A_659 : memref<!tpu.dma_semaphore, #tpu.memory_space<semaphore_mem>>)
        %dma_wait3A_672 = arith.constant 0 : i32
        %dma_wait3A_673 = arith.constant 0 : i32
        %dma_wait3A_674 = tpu.memref_slice %arg6[%run_scoped3A_325, %dma_wait3A_672, %dma_wait3A_673] : memref<8x128x64xf32, #tpu.memory_space<vmem>> -> memref<1x128x64xf32, #tpu.memory_space<vmem>>
        %dma_wait3A_675 = tpu.memref_squeeze %dma_wait3A_674 : memref<1x128x64xf32, #tpu.memory_space<vmem>> -> memref<128x64xf32, #tpu.memory_space<vmem>>
        %dma_wait3A_676 = tpu.memref_slice %arg4[%select_n3A_293, %add3A_324, %mul3A_36] : memref<50x8192x128xf32, #tpu.memory_space<hbm>> -> memref<1x128x64xf32, #tpu.memory_space<hbm>>
        %dma_wait3A_677 = tpu.memref_squeeze %dma_wait3A_676 : memref<1x128x64xf32, #tpu.memory_space<hbm>> -> memref<128x64xf32, #tpu.memory_space<hbm>>
        %dma_wait3A_678 = tpu.memref_slice %arg4[%select_n3A_293, %add3A_324, %mul3A_36] : memref<50x8192x128xf32, #tpu.memory_space<hbm>> -> memref<1x128x64xf32, #tpu.memory_space<hbm>>
        %dma_wait3A_679 = tpu.memref_squeeze %dma_wait3A_678 : memref<1x128x64xf32, #tpu.memory_space<hbm>> -> memref<128x64xf32, #tpu.memory_space<hbm>>
        %dma_wait3A_680 = arith.constant 0 : i32
        %dma_wait3A_681 = arith.constant 0 : i32
        %dma_wait3A_682 = tpu.memref_slice %arg6[%run_scoped3A_325, %dma_wait3A_680, %dma_wait3A_681] : memref<8x128x64xf32, #tpu.memory_space<vmem>> -> memref<1x128x64xf32, #tpu.memory_space<vmem>>
        %dma_wait3A_683 = tpu.memref_squeeze %dma_wait3A_682 : memref<1x128x64xf32, #tpu.memory_space<vmem>> -> memref<128x64xf32, #tpu.memory_space<vmem>>
        tpu.wait_dma2 semaphore(%run_scoped3A_659 : memref<!tpu.dma_semaphore, #tpu.memory_space<semaphore_mem>>) src(%dma_wait3A_683 : memref<128x64xf32, #tpu.memory_space<vmem>>) dst(%dma_wait3A_679 : memref<128x64xf32, #tpu.memory_space<hbm>>)
        tpu.yield
      }) : () -> ()
      %add3A_326 = arith.constant 8 : i32
      %add3A_327 = arith.addi %add3A_269, %add3A_326 : i32
      %lt3A_328 = arith.constant 200 : i32
      %lt3A_329 = arith.cmpi slt, %add3A_327, %lt3A_328 : i32
      %convert_element_type3A_330 = arith.extui %lt3A_329 : i1 to i32
      %cond3A_331 = arith.constant 0 : i32
      %cond3A_332 = arith.cmpi ne, %convert_element_type3A_330, %cond3A_331 : i32
      scf.if %cond3A_332 {
        %jit3A_659 = arith.constant 4 : i32
        %div3A_660 = arith.divsi %add3A_327, %jit3A_659 : i32
        %sign3A_661 = arith.constant 0 : i32
        %sign3A_662 = arith.cmpi sgt, %add3A_327, %sign3A_661 : i32
        %sign3A_663 = arith.extui %sign3A_662 : i1 to i32
        %sign3A_664 = arith.constant 0 : i32
        %sign3A_665 = arith.cmpi slt, %add3A_327, %sign3A_664 : i32
        %sign3A_666 = arith.extui %sign3A_665 : i1 to i32
        %sign3A_667 = arith.subi %sign3A_663, %sign3A_666 : i32
        %sign3A_668 = arith.constant 0 : i32
        %sign3A_669 = arith.cmpi sgt, %jit3A_659, %sign3A_668 : i32
        %sign3A_670 = arith.extui %sign3A_669 : i1 to i32
        %sign3A_671 = arith.constant 0 : i32
        %sign3A_672 = arith.cmpi slt, %jit3A_659, %sign3A_671 : i32
        %sign3A_673 = arith.extui %sign3A_672 : i1 to i32
        %sign3A_674 = arith.subi %sign3A_670, %sign3A_673 : i32
        %ne3A_675 = arith.cmpi ne, %sign3A_667, %sign3A_674 : i32
        %rem3A_676 = arith.remsi %add3A_327, %jit3A_659 : i32
        %ne3A_677 = arith.constant 0 : i32
        %ne3A_678 = arith.cmpi ne, %rem3A_676, %ne3A_677 : i32
        %and3A_679 = arith.andi %ne3A_675, %ne3A_678 : i1
        %sub3A_680 = arith.constant 1 : i32
        %sub3A_681 = arith.subi %div3A_660, %sub3A_680 : i32
        %select_n3A_682 = arith.select %and3A_679, %sub3A_681, %div3A_660 : i32
        %jit3A_683 = arith.constant 4 : i32
        %eq3A_684 = arith.constant 0 : i32
        %eq3A_685 = arith.cmpi eq, %jit3A_683, %eq3A_684 : i32
        %jit3A_686 = arith.constant 1 : i32
        %select_n3A_687 = arith.select %eq3A_685, %jit3A_686, %jit3A_683 : i32
        %rem3A_688 = arith.remsi %add3A_327, %select_n3A_687 : i32
        %ne3A_689 = arith.constant 0 : i32
        %ne3A_690 = arith.cmpi ne, %rem3A_688, %ne3A_689 : i32
        %lt3A_691 = arith.constant 0 : i32
        %lt3A_692 = arith.cmpi slt, %rem3A_688, %lt3A_691 : i32
        %lt3A_693 = arith.constant 0 : i32
        %lt3A_694 = arith.cmpi slt, %select_n3A_687, %lt3A_693 : i32
        %ne3A_695 = arith.xori %lt3A_692, %lt3A_694 : i1
        %and3A_696 = arith.andi %ne3A_695, %ne3A_690 : i1
        %add3A_697 = arith.addi %rem3A_688, %select_n3A_687 : i32
        %select_n3A_698 = arith.select %and3A_696, %add3A_697, %rem3A_688 : i32
        %mul3A_699 = arith.constant 128 : i32
        %mul3A_700 = arith.muli %select_n3A_698, %mul3A_699 : i32
        %dma_start3A_701 = arith.constant 2 : i32
        %dma_start3A_702 = arith.constant 0 : i32
        %dma_start3A_703 = arith.constant 0 : i32
        %dma_start3A_704 = tpu.memref_slice %arg6[%dma_start3A_701, %dma_start3A_702, %dma_start3A_703] : memref<8x128x64xf32, #tpu.memory_space<vmem>> -> memref<1x128x64xf32, #tpu.memory_space<vmem>>
        %dma_start3A_705 = tpu.memref_squeeze %dma_start3A_704 : memref<1x128x64xf32, #tpu.memory_space<vmem>> -> memref<128x64xf32, #tpu.memory_space<vmem>>
        %dma_start3A_706 = tpu.memref_slice %arg5[%select_n3A_682, %mul3A_700] : memref<50x512xi32, #tpu.memory_space<vmem>> -> memref<1x128xi32, #tpu.memory_space<vmem>>
        %dma_start3A_707 = tpu.memref_squeeze %dma_start3A_706 : memref<1x128xi32, #tpu.memory_space<vmem>> -> memref<128xi32, #tpu.memory_space<vmem>>
        %dma_start3A_708 = arith.constant 0 : i32
        %dma_start3A_709 = arith.constant 0 : i32
        %dma_start3A_710 = tpu.memref_slice %arg3[%dma_start3A_708, %dma_start3A_709] : memref<1024000x64xf32, #tpu.memory_space<hbm>> -> memref<1024000x64xf32, #tpu.memory_space<hbm>>
        tpu.enqueue_indirect_dma source(%dma_start3A_710 : memref<1024000x64xf32, #tpu.memory_space<hbm>>) target(%dma_start3A_705 : memref<128x64xf32, #tpu.memory_space<vmem>>) offsets(%dma_start3A_707 : memref<128xi32, #tpu.memory_space<vmem>>) semaphore(%arg7 : memref<!tpu.dma_semaphore, #tpu.memory_space<semaphore_mem>>)
      } else {
      }
      %add3A_333 = arith.constant 3 : i32
      %add3A_334 = arith.addi %mul3A_141, %add3A_333 : i32
      %jit3A_335 = arith.constant 4 : i32
      %div3A_336 = arith.divsi %add3A_334, %jit3A_335 : i32
      %sign3A_337 = arith.constant 0 : i32
      %sign3A_338 = arith.cmpi sgt, %add3A_334, %sign3A_337 : i32
      %sign3A_339 = arith.extui %sign3A_338 : i1 to i32
      %sign3A_340 = arith.constant 0 : i32
      %sign3A_341 = arith.cmpi slt, %add3A_334, %sign3A_340 : i32
      %sign3A_342 = arith.extui %sign3A_341 : i1 to i32
      %sign3A_343 = arith.subi %sign3A_339, %sign3A_342 : i32
      %sign3A_344 = arith.constant 0 : i32
      %sign3A_345 = arith.cmpi sgt, %jit3A_335, %sign3A_344 : i32
      %sign3A_346 = arith.extui %sign3A_345 : i1 to i32
      %sign3A_347 = arith.constant 0 : i32
      %sign3A_348 = arith.cmpi slt, %jit3A_335, %sign3A_347 : i32
      %sign3A_349 = arith.extui %sign3A_348 : i1 to i32
      %sign3A_350 = arith.subi %sign3A_346, %sign3A_349 : i32
      %ne3A_351 = arith.cmpi ne, %sign3A_343, %sign3A_350 : i32
      %rem3A_352 = arith.remsi %add3A_334, %jit3A_335 : i32
      %ne3A_353 = arith.constant 0 : i32
      %ne3A_354 = arith.cmpi ne, %rem3A_352, %ne3A_353 : i32
      %and3A_355 = arith.andi %ne3A_351, %ne3A_354 : i1
      %sub3A_356 = arith.constant 1 : i32
      %sub3A_357 = arith.subi %div3A_336, %sub3A_356 : i32
      %select_n3A_358 = arith.select %and3A_355, %sub3A_357, %div3A_336 : i32
      %jit3A_359 = arith.constant 4 : i32
      %eq3A_360 = arith.constant 0 : i32
      %eq3A_361 = arith.cmpi eq, %jit3A_359, %eq3A_360 : i32
      %jit3A_362 = arith.constant 1 : i32
      %select_n3A_363 = arith.select %eq3A_361, %jit3A_362, %jit3A_359 : i32
      %rem3A_364 = arith.remsi %add3A_334, %select_n3A_363 : i32
      %ne3A_365 = arith.constant 0 : i32
      %ne3A_366 = arith.cmpi ne, %rem3A_364, %ne3A_365 : i32
      %lt3A_367 = arith.constant 0 : i32
      %lt3A_368 = arith.cmpi slt, %rem3A_364, %lt3A_367 : i32
      %lt3A_369 = arith.constant 0 : i32
      %lt3A_370 = arith.cmpi slt, %select_n3A_363, %lt3A_369 : i32
      %ne3A_371 = arith.xori %lt3A_368, %lt3A_370 : i1
      %and3A_372 = arith.andi %ne3A_371, %ne3A_366 : i1
      %add3A_373 = arith.addi %rem3A_364, %select_n3A_363 : i32
      %select_n3A_374 = arith.select %and3A_372, %add3A_373, %rem3A_364 : i32
      %mul3A_375 = arith.constant 128 : i32
      %mul3A_376 = arith.muli %select_n3A_374, %mul3A_375 : i32
      %dma_wait3A_377 = arith.constant 0 : i32
      %dma_wait3A_378 = arith.constant 3 : i32
      %dma_wait3A_379 = arith.constant 0 : i32
      %dma_wait3A_380 = arith.constant 0 : i32
      %dma_wait3A_381 = tpu.memref_slice %arg6[%dma_wait3A_378, %dma_wait3A_379, %dma_wait3A_380] : memref<8x128x64xf32, #tpu.memory_space<vmem>> -> memref<1x128x64xf32, #tpu.memory_space<vmem>>
      %dma_wait3A_382 = tpu.memref_squeeze %dma_wait3A_381 : memref<1x128x64xf32, #tpu.memory_space<vmem>> -> memref<128x64xf32, #tpu.memory_space<vmem>>
      %dma_wait3A_383 = arith.constant 0 : i32
      %dma_wait3A_384 = tpu.memref_slice %arg5[%dma_wait3A_377, %dma_wait3A_383] : memref<50x512xi32, #tpu.memory_space<vmem>> -> memref<1x128xi32, #tpu.memory_space<vmem>>
      %dma_wait3A_385 = tpu.memref_squeeze %dma_wait3A_384 : memref<1x128xi32, #tpu.memory_space<vmem>> -> memref<128xi32, #tpu.memory_space<vmem>>
      %dma_wait3A_386 = arith.constant 0 : i32
      %dma_wait3A_387 = arith.constant 0 : i32
      %dma_wait3A_388 = tpu.memref_slice %arg3[%dma_wait3A_386, %dma_wait3A_387] : memref<1024000x64xf32, #tpu.memory_space<hbm>> -> memref<1024000x64xf32, #tpu.memory_space<hbm>>
      tpu.wait_indirect_dma semaphore(%arg7 : memref<!tpu.dma_semaphore, #tpu.memory_space<semaphore_mem>>) src(%dma_wait3A_388 : memref<1024000x64xf32, #tpu.memory_space<hbm>>) dst(%dma_wait3A_382 : memref<128x64xf32, #tpu.memory_space<vmem>>)
      %add3A_389 = arith.addi %mul3A_20, %mul3A_376 : i32
      %run_scoped3A_390 = arith.constant 3 : i32
      "tpu.region"() ({
        %run_scoped3A_659 = tpu.sem_alloc : memref<!tpu.dma_semaphore, #tpu.memory_space<semaphore_mem>>
        %dma_start3A_660 = arith.constant 0 : i32
        %dma_start3A_661 = arith.constant 0 : i32
        %dma_start3A_662 = tpu.memref_slice %arg6[%run_scoped3A_390, %dma_start3A_660, %dma_start3A_661] : memref<8x128x64xf32, #tpu.memory_space<vmem>> -> memref<1x128x64xf32, #tpu.memory_space<vmem>>
        %dma_start3A_663 = tpu.memref_squeeze %dma_start3A_662 : memref<1x128x64xf32, #tpu.memory_space<vmem>> -> memref<128x64xf32, #tpu.memory_space<vmem>>
        %dma_start3A_664 = tpu.memref_slice %arg4[%select_n3A_358, %add3A_389, %mul3A_36] : memref<50x8192x128xf32, #tpu.memory_space<hbm>> -> memref<1x128x64xf32, #tpu.memory_space<hbm>>
        %dma_start3A_665 = tpu.memref_squeeze %dma_start3A_664 : memref<1x128x64xf32, #tpu.memory_space<hbm>> -> memref<128x64xf32, #tpu.memory_space<hbm>>
        %dma_start3A_666 = tpu.memref_slice %arg4[%select_n3A_358, %add3A_389, %mul3A_36] : memref<50x8192x128xf32, #tpu.memory_space<hbm>> -> memref<1x128x64xf32, #tpu.memory_space<hbm>>
        %dma_start3A_667 = tpu.memref_squeeze %dma_start3A_666 : memref<1x128x64xf32, #tpu.memory_space<hbm>> -> memref<128x64xf32, #tpu.memory_space<hbm>>
        %dma_start3A_668 = arith.constant 0 : i32
        %dma_start3A_669 = arith.constant 0 : i32
        %dma_start3A_670 = tpu.memref_slice %arg6[%run_scoped3A_390, %dma_start3A_668, %dma_start3A_669] : memref<8x128x64xf32, #tpu.memory_space<vmem>> -> memref<1x128x64xf32, #tpu.memory_space<vmem>>
        %dma_start3A_671 = tpu.memref_squeeze %dma_start3A_670 : memref<1x128x64xf32, #tpu.memory_space<vmem>> -> memref<128x64xf32, #tpu.memory_space<vmem>>
        tpu.enqueue_dma source(%dma_start3A_671 : memref<128x64xf32, #tpu.memory_space<vmem>>) target(%dma_start3A_667 : memref<128x64xf32, #tpu.memory_space<hbm>>) target_semaphore(%run_scoped3A_659 : memref<!tpu.dma_semaphore, #tpu.memory_space<semaphore_mem>>)
        %dma_wait3A_672 = arith.constant 0 : i32
        %dma_wait3A_673 = arith.constant 0 : i32
        %dma_wait3A_674 = tpu.memref_slice %arg6[%run_scoped3A_390, %dma_wait3A_672, %dma_wait3A_673] : memref<8x128x64xf32, #tpu.memory_space<vmem>> -> memref<1x128x64xf32, #tpu.memory_space<vmem>>
        %dma_wait3A_675 = tpu.memref_squeeze %dma_wait3A_674 : memref<1x128x64xf32, #tpu.memory_space<vmem>> -> memref<128x64xf32, #tpu.memory_space<vmem>>
        %dma_wait3A_676 = tpu.memref_slice %arg4[%select_n3A_358, %add3A_389, %mul3A_36] : memref<50x8192x128xf32, #tpu.memory_space<hbm>> -> memref<1x128x64xf32, #tpu.memory_space<hbm>>
        %dma_wait3A_677 = tpu.memref_squeeze %dma_wait3A_676 : memref<1x128x64xf32, #tpu.memory_space<hbm>> -> memref<128x64xf32, #tpu.memory_space<hbm>>
        %dma_wait3A_678 = tpu.memref_slice %arg4[%select_n3A_358, %add3A_389, %mul3A_36] : memref<50x8192x128xf32, #tpu.memory_space<hbm>> -> memref<1x128x64xf32, #tpu.memory_space<hbm>>
        %dma_wait3A_679 = tpu.memref_squeeze %dma_wait3A_678 : memref<1x128x64xf32, #tpu.memory_space<hbm>> -> memref<128x64xf32, #tpu.memory_space<hbm>>
        %dma_wait3A_680 = arith.constant 0 : i32
        %dma_wait3A_681 = arith.constant 0 : i32
        %dma_wait3A_682 = tpu.memref_slice %arg6[%run_scoped3A_390, %dma_wait3A_680, %dma_wait3A_681] : memref<8x128x64xf32, #tpu.memory_space<vmem>> -> memref<1x128x64xf32, #tpu.memory_space<vmem>>
        %dma_wait3A_683 = tpu.memref_squeeze %dma_wait3A_682 : memref<1x128x64xf32, #tpu.memory_space<vmem>> -> memref<128x64xf32, #tpu.memory_space<vmem>>
        tpu.wait_dma2 semaphore(%run_scoped3A_659 : memref<!tpu.dma_semaphore, #tpu.memory_space<semaphore_mem>>) src(%dma_wait3A_683 : memref<128x64xf32, #tpu.memory_space<vmem>>) dst(%dma_wait3A_679 : memref<128x64xf32, #tpu.memory_space<hbm>>)
        tpu.yield
      }) : () -> ()
      %add3A_391 = arith.constant 8 : i32
      %add3A_392 = arith.addi %add3A_334, %add3A_391 : i32
      %lt3A_393 = arith.constant 200 : i32
      %lt3A_394 = arith.cmpi slt, %add3A_392, %lt3A_393 : i32
      %convert_element_type3A_395 = arith.extui %lt3A_394 : i1 to i32
      %cond3A_396 = arith.constant 0 : i32
      %cond3A_397 = arith.cmpi ne, %convert_element_type3A_395, %cond3A_396 : i32
      scf.if %cond3A_397 {
        %jit3A_659 = arith.constant 4 : i32
        %div3A_660 = arith.divsi %add3A_392, %jit3A_659 : i32
        %sign3A_661 = arith.constant 0 : i32
        %sign3A_662 = arith.cmpi sgt, %add3A_392, %sign3A_661 : i32
        %sign3A_663 = arith.extui %sign3A_662 : i1 to i32
        %sign3A_664 = arith.constant 0 : i32
        %sign3A_665 = arith.cmpi slt, %add3A_392, %sign3A_664 : i32
        %sign3A_666 = arith.extui %sign3A_665 : i1 to i32
        %sign3A_667 = arith.subi %sign3A_663, %sign3A_666 : i32
        %sign3A_668 = arith.constant 0 : i32
        %sign3A_669 = arith.cmpi sgt, %jit3A_659, %sign3A_668 : i32
        %sign3A_670 = arith.extui %sign3A_669 : i1 to i32
        %sign3A_671 = arith.constant 0 : i32
        %sign3A_672 = arith.cmpi slt, %jit3A_659, %sign3A_671 : i32
        %sign3A_673 = arith.extui %sign3A_672 : i1 to i32
        %sign3A_674 = arith.subi %sign3A_670, %sign3A_673 : i32
        %ne3A_675 = arith.cmpi ne, %sign3A_667, %sign3A_674 : i32
        %rem3A_676 = arith.remsi %add3A_392, %jit3A_659 : i32
        %ne3A_677 = arith.constant 0 : i32
        %ne3A_678 = arith.cmpi ne, %rem3A_676, %ne3A_677 : i32
        %and3A_679 = arith.andi %ne3A_675, %ne3A_678 : i1
        %sub3A_680 = arith.constant 1 : i32
        %sub3A_681 = arith.subi %div3A_660, %sub3A_680 : i32
        %select_n3A_682 = arith.select %and3A_679, %sub3A_681, %div3A_660 : i32
        %jit3A_683 = arith.constant 4 : i32
        %eq3A_684 = arith.constant 0 : i32
        %eq3A_685 = arith.cmpi eq, %jit3A_683, %eq3A_684 : i32
        %jit3A_686 = arith.constant 1 : i32
        %select_n3A_687 = arith.select %eq3A_685, %jit3A_686, %jit3A_683 : i32
        %rem3A_688 = arith.remsi %add3A_392, %select_n3A_687 : i32
        %ne3A_689 = arith.constant 0 : i32
        %ne3A_690 = arith.cmpi ne, %rem3A_688, %ne3A_689 : i32
        %lt3A_691 = arith.constant 0 : i32
        %lt3A_692 = arith.cmpi slt, %rem3A_688, %lt3A_691 : i32
        %lt3A_693 = arith.constant 0 : i32
        %lt3A_694 = arith.cmpi slt, %select_n3A_687, %lt3A_693 : i32
        %ne3A_695 = arith.xori %lt3A_692, %lt3A_694 : i1
        %and3A_696 = arith.andi %ne3A_695, %ne3A_690 : i1
        %add3A_697 = arith.addi %rem3A_688, %select_n3A_687 : i32
        %select_n3A_698 = arith.select %and3A_696, %add3A_697, %rem3A_688 : i32
        %mul3A_699 = arith.constant 128 : i32
        %mul3A_700 = arith.muli %select_n3A_698, %mul3A_699 : i32
        %dma_start3A_701 = arith.constant 3 : i32
        %dma_start3A_702 = arith.constant 0 : i32
        %dma_start3A_703 = arith.constant 0 : i32
        %dma_start3A_704 = tpu.memref_slice %arg6[%dma_start3A_701, %dma_start3A_702, %dma_start3A_703] : memref<8x128x64xf32, #tpu.memory_space<vmem>> -> memref<1x128x64xf32, #tpu.memory_space<vmem>>
        %dma_start3A_705 = tpu.memref_squeeze %dma_start3A_704 : memref<1x128x64xf32, #tpu.memory_space<vmem>> -> memref<128x64xf32, #tpu.memory_space<vmem>>
        %dma_start3A_706 = tpu.memref_slice %arg5[%select_n3A_682, %mul3A_700] : memref<50x512xi32, #tpu.memory_space<vmem>> -> memref<1x128xi32, #tpu.memory_space<vmem>>
        %dma_start3A_707 = tpu.memref_squeeze %dma_start3A_706 : memref<1x128xi32, #tpu.memory_space<vmem>> -> memref<128xi32, #tpu.memory_space<vmem>>
        %dma_start3A_708 = arith.constant 0 : i32
        %dma_start3A_709 = arith.constant 0 : i32
        %dma_start3A_710 = tpu.memref_slice %arg3[%dma_start3A_708, %dma_start3A_709] : memref<1024000x64xf32, #tpu.memory_space<hbm>> -> memref<1024000x64xf32, #tpu.memory_space<hbm>>
        tpu.enqueue_indirect_dma source(%dma_start3A_710 : memref<1024000x64xf32, #tpu.memory_space<hbm>>) target(%dma_start3A_705 : memref<128x64xf32, #tpu.memory_space<vmem>>) offsets(%dma_start3A_707 : memref<128xi32, #tpu.memory_space<vmem>>) semaphore(%arg7 : memref<!tpu.dma_semaphore, #tpu.memory_space<semaphore_mem>>)
      } else {
      }
      %add3A_398 = arith.constant 4 : i32
      %add3A_399 = arith.addi %mul3A_141, %add3A_398 : i32
      %jit3A_400 = arith.constant 4 : i32
      %div3A_401 = arith.divsi %add3A_399, %jit3A_400 : i32
      %sign3A_402 = arith.constant 0 : i32
      %sign3A_403 = arith.cmpi sgt, %add3A_399, %sign3A_402 : i32
      %sign3A_404 = arith.extui %sign3A_403 : i1 to i32
      %sign3A_405 = arith.constant 0 : i32
      %sign3A_406 = arith.cmpi slt, %add3A_399, %sign3A_405 : i32
      %sign3A_407 = arith.extui %sign3A_406 : i1 to i32
      %sign3A_408 = arith.subi %sign3A_404, %sign3A_407 : i32
      %sign3A_409 = arith.constant 0 : i32
      %sign3A_410 = arith.cmpi sgt, %jit3A_400, %sign3A_409 : i32
      %sign3A_411 = arith.extui %sign3A_410 : i1 to i32
      %sign3A_412 = arith.constant 0 : i32
      %sign3A_413 = arith.cmpi slt, %jit3A_400, %sign3A_412 : i32
      %sign3A_414 = arith.extui %sign3A_413 : i1 to i32
      %sign3A_415 = arith.subi %sign3A_411, %sign3A_414 : i32
      %ne3A_416 = arith.cmpi ne, %sign3A_408, %sign3A_415 : i32
      %rem3A_417 = arith.remsi %add3A_399, %jit3A_400 : i32
      %ne3A_418 = arith.constant 0 : i32
      %ne3A_419 = arith.cmpi ne, %rem3A_417, %ne3A_418 : i32
      %and3A_420 = arith.andi %ne3A_416, %ne3A_419 : i1
      %sub3A_421 = arith.constant 1 : i32
      %sub3A_422 = arith.subi %div3A_401, %sub3A_421 : i32
      %select_n3A_423 = arith.select %and3A_420, %sub3A_422, %div3A_401 : i32
      %jit3A_424 = arith.constant 4 : i32
      %eq3A_425 = arith.constant 0 : i32
      %eq3A_426 = arith.cmpi eq, %jit3A_424, %eq3A_425 : i32
      %jit3A_427 = arith.constant 1 : i32
      %select_n3A_428 = arith.select %eq3A_426, %jit3A_427, %jit3A_424 : i32
      %rem3A_429 = arith.remsi %add3A_399, %select_n3A_428 : i32
      %ne3A_430 = arith.constant 0 : i32
      %ne3A_431 = arith.cmpi ne, %rem3A_429, %ne3A_430 : i32
      %lt3A_432 = arith.constant 0 : i32
      %lt3A_433 = arith.cmpi slt, %rem3A_429, %lt3A_432 : i32
      %lt3A_434 = arith.constant 0 : i32
      %lt3A_435 = arith.cmpi slt, %select_n3A_428, %lt3A_434 : i32
      %ne3A_436 = arith.xori %lt3A_433, %lt3A_435 : i1
      %and3A_437 = arith.andi %ne3A_436, %ne3A_431 : i1
      %add3A_438 = arith.addi %rem3A_429, %select_n3A_428 : i32
      %select_n3A_439 = arith.select %and3A_437, %add3A_438, %rem3A_429 : i32
      %mul3A_440 = arith.constant 128 : i32
      %mul3A_441 = arith.muli %select_n3A_439, %mul3A_440 : i32
      %dma_wait3A_442 = arith.constant 0 : i32
      %dma_wait3A_443 = arith.constant 4 : i32
      %dma_wait3A_444 = arith.constant 0 : i32
      %dma_wait3A_445 = arith.constant 0 : i32
      %dma_wait3A_446 = tpu.memref_slice %arg6[%dma_wait3A_443, %dma_wait3A_444, %dma_wait3A_445] : memref<8x128x64xf32, #tpu.memory_space<vmem>> -> memref<1x128x64xf32, #tpu.memory_space<vmem>>
      %dma_wait3A_447 = tpu.memref_squeeze %dma_wait3A_446 : memref<1x128x64xf32, #tpu.memory_space<vmem>> -> memref<128x64xf32, #tpu.memory_space<vmem>>
      %dma_wait3A_448 = arith.constant 0 : i32
      %dma_wait3A_449 = tpu.memref_slice %arg5[%dma_wait3A_442, %dma_wait3A_448] : memref<50x512xi32, #tpu.memory_space<vmem>> -> memref<1x128xi32, #tpu.memory_space<vmem>>
      %dma_wait3A_450 = tpu.memref_squeeze %dma_wait3A_449 : memref<1x128xi32, #tpu.memory_space<vmem>> -> memref<128xi32, #tpu.memory_space<vmem>>
      %dma_wait3A_451 = arith.constant 0 : i32
      %dma_wait3A_452 = arith.constant 0 : i32
      %dma_wait3A_453 = tpu.memref_slice %arg3[%dma_wait3A_451, %dma_wait3A_452] : memref<1024000x64xf32, #tpu.memory_space<hbm>> -> memref<1024000x64xf32, #tpu.memory_space<hbm>>
      tpu.wait_indirect_dma semaphore(%arg7 : memref<!tpu.dma_semaphore, #tpu.memory_space<semaphore_mem>>) src(%dma_wait3A_453 : memref<1024000x64xf32, #tpu.memory_space<hbm>>) dst(%dma_wait3A_447 : memref<128x64xf32, #tpu.memory_space<vmem>>)
      %add3A_454 = arith.addi %mul3A_20, %mul3A_441 : i32
      %run_scoped3A_455 = arith.constant 4 : i32
      "tpu.region"() ({
        %run_scoped3A_659 = tpu.sem_alloc : memref<!tpu.dma_semaphore, #tpu.memory_space<semaphore_mem>>
        %dma_start3A_660 = arith.constant 0 : i32
        %dma_start3A_661 = arith.constant 0 : i32
        %dma_start3A_662 = tpu.memref_slice %arg6[%run_scoped3A_455, %dma_start3A_660, %dma_start3A_661] : memref<8x128x64xf32, #tpu.memory_space<vmem>> -> memref<1x128x64xf32, #tpu.memory_space<vmem>>
        %dma_start3A_663 = tpu.memref_squeeze %dma_start3A_662 : memref<1x128x64xf32, #tpu.memory_space<vmem>> -> memref<128x64xf32, #tpu.memory_space<vmem>>
        %dma_start3A_664 = tpu.memref_slice %arg4[%select_n3A_423, %add3A_454, %mul3A_36] : memref<50x8192x128xf32, #tpu.memory_space<hbm>> -> memref<1x128x64xf32, #tpu.memory_space<hbm>>
        %dma_start3A_665 = tpu.memref_squeeze %dma_start3A_664 : memref<1x128x64xf32, #tpu.memory_space<hbm>> -> memref<128x64xf32, #tpu.memory_space<hbm>>
        %dma_start3A_666 = tpu.memref_slice %arg4[%select_n3A_423, %add3A_454, %mul3A_36] : memref<50x8192x128xf32, #tpu.memory_space<hbm>> -> memref<1x128x64xf32, #tpu.memory_space<hbm>>
        %dma_start3A_667 = tpu.memref_squeeze %dma_start3A_666 : memref<1x128x64xf32, #tpu.memory_space<hbm>> -> memref<128x64xf32, #tpu.memory_space<hbm>>
        %dma_start3A_668 = arith.constant 0 : i32
        %dma_start3A_669 = arith.constant 0 : i32
        %dma_start3A_670 = tpu.memref_slice %arg6[%run_scoped3A_455, %dma_start3A_668, %dma_start3A_669] : memref<8x128x64xf32, #tpu.memory_space<vmem>> -> memref<1x128x64xf32, #tpu.memory_space<vmem>>
        %dma_start3A_671 = tpu.memref_squeeze %dma_start3A_670 : memref<1x128x64xf32, #tpu.memory_space<vmem>> -> memref<128x64xf32, #tpu.memory_space<vmem>>
        tpu.enqueue_dma source(%dma_start3A_671 : memref<128x64xf32, #tpu.memory_space<vmem>>) target(%dma_start3A_667 : memref<128x64xf32, #tpu.memory_space<hbm>>) target_semaphore(%run_scoped3A_659 : memref<!tpu.dma_semaphore, #tpu.memory_space<semaphore_mem>>)
        %dma_wait3A_672 = arith.constant 0 : i32
        %dma_wait3A_673 = arith.constant 0 : i32
        %dma_wait3A_674 = tpu.memref_slice %arg6[%run_scoped3A_455, %dma_wait3A_672, %dma_wait3A_673] : memref<8x128x64xf32, #tpu.memory_space<vmem>> -> memref<1x128x64xf32, #tpu.memory_space<vmem>>
        %dma_wait3A_675 = tpu.memref_squeeze %dma_wait3A_674 : memref<1x128x64xf32, #tpu.memory_space<vmem>> -> memref<128x64xf32, #tpu.memory_space<vmem>>
        %dma_wait3A_676 = tpu.memref_slice %arg4[%select_n3A_423, %add3A_454, %mul3A_36] : memref<50x8192x128xf32, #tpu.memory_space<hbm>> -> memref<1x128x64xf32, #tpu.memory_space<hbm>>
        %dma_wait3A_677 = tpu.memref_squeeze %dma_wait3A_676 : memref<1x128x64xf32, #tpu.memory_space<hbm>> -> memref<128x64xf32, #tpu.memory_space<hbm>>
        %dma_wait3A_678 = tpu.memref_slice %arg4[%select_n3A_423, %add3A_454, %mul3A_36] : memref<50x8192x128xf32, #tpu.memory_space<hbm>> -> memref<1x128x64xf32, #tpu.memory_space<hbm>>
        %dma_wait3A_679 = tpu.memref_squeeze %dma_wait3A_678 : memref<1x128x64xf32, #tpu.memory_space<hbm>> -> memref<128x64xf32, #tpu.memory_space<hbm>>
        %dma_wait3A_680 = arith.constant 0 : i32
        %dma_wait3A_681 = arith.constant 0 : i32
        %dma_wait3A_682 = tpu.memref_slice %arg6[%run_scoped3A_455, %dma_wait3A_680, %dma_wait3A_681] : memref<8x128x64xf32, #tpu.memory_space<vmem>> -> memref<1x128x64xf32, #tpu.memory_space<vmem>>
        %dma_wait3A_683 = tpu.memref_squeeze %dma_wait3A_682 : memref<1x128x64xf32, #tpu.memory_space<vmem>> -> memref<128x64xf32, #tpu.memory_space<vmem>>
        tpu.wait_dma2 semaphore(%run_scoped3A_659 : memref<!tpu.dma_semaphore, #tpu.memory_space<semaphore_mem>>) src(%dma_wait3A_683 : memref<128x64xf32, #tpu.memory_space<vmem>>) dst(%dma_wait3A_679 : memref<128x64xf32, #tpu.memory_space<hbm>>)
        tpu.yield
      }) : () -> ()
      %add3A_456 = arith.constant 8 : i32
      %add3A_457 = arith.addi %add3A_399, %add3A_456 : i32
      %lt3A_458 = arith.constant 200 : i32
      %lt3A_459 = arith.cmpi slt, %add3A_457, %lt3A_458 : i32
      %convert_element_type3A_460 = arith.extui %lt3A_459 : i1 to i32
      %cond3A_461 = arith.constant 0 : i32
      %cond3A_462 = arith.cmpi ne, %convert_element_type3A_460, %cond3A_461 : i32
      scf.if %cond3A_462 {
        %jit3A_659 = arith.constant 4 : i32
        %div3A_660 = arith.divsi %add3A_457, %jit3A_659 : i32
        %sign3A_661 = arith.constant 0 : i32
        %sign3A_662 = arith.cmpi sgt, %add3A_457, %sign3A_661 : i32
        %sign3A_663 = arith.extui %sign3A_662 : i1 to i32
        %sign3A_664 = arith.constant 0 : i32
        %sign3A_665 = arith.cmpi slt, %add3A_457, %sign3A_664 : i32
        %sign3A_666 = arith.extui %sign3A_665 : i1 to i32
        %sign3A_667 = arith.subi %sign3A_663, %sign3A_666 : i32
        %sign3A_668 = arith.constant 0 : i32
        %sign3A_669 = arith.cmpi sgt, %jit3A_659, %sign3A_668 : i32
        %sign3A_670 = arith.extui %sign3A_669 : i1 to i32
        %sign3A_671 = arith.constant 0 : i32
        %sign3A_672 = arith.cmpi slt, %jit3A_659, %sign3A_671 : i32
        %sign3A_673 = arith.extui %sign3A_672 : i1 to i32
        %sign3A_674 = arith.subi %sign3A_670, %sign3A_673 : i32
        %ne3A_675 = arith.cmpi ne, %sign3A_667, %sign3A_674 : i32
        %rem3A_676 = arith.remsi %add3A_457, %jit3A_659 : i32
        %ne3A_677 = arith.constant 0 : i32
        %ne3A_678 = arith.cmpi ne, %rem3A_676, %ne3A_677 : i32
        %and3A_679 = arith.andi %ne3A_675, %ne3A_678 : i1
        %sub3A_680 = arith.constant 1 : i32
        %sub3A_681 = arith.subi %div3A_660, %sub3A_680 : i32
        %select_n3A_682 = arith.select %and3A_679, %sub3A_681, %div3A_660 : i32
        %jit3A_683 = arith.constant 4 : i32
        %eq3A_684 = arith.constant 0 : i32
        %eq3A_685 = arith.cmpi eq, %jit3A_683, %eq3A_684 : i32
        %jit3A_686 = arith.constant 1 : i32
        %select_n3A_687 = arith.select %eq3A_685, %jit3A_686, %jit3A_683 : i32
        %rem3A_688 = arith.remsi %add3A_457, %select_n3A_687 : i32
        %ne3A_689 = arith.constant 0 : i32
        %ne3A_690 = arith.cmpi ne, %rem3A_688, %ne3A_689 : i32
        %lt3A_691 = arith.constant 0 : i32
        %lt3A_692 = arith.cmpi slt, %rem3A_688, %lt3A_691 : i32
        %lt3A_693 = arith.constant 0 : i32
        %lt3A_694 = arith.cmpi slt, %select_n3A_687, %lt3A_693 : i32
        %ne3A_695 = arith.xori %lt3A_692, %lt3A_694 : i1
        %and3A_696 = arith.andi %ne3A_695, %ne3A_690 : i1
        %add3A_697 = arith.addi %rem3A_688, %select_n3A_687 : i32
        %select_n3A_698 = arith.select %and3A_696, %add3A_697, %rem3A_688 : i32
        %mul3A_699 = arith.constant 128 : i32
        %mul3A_700 = arith.muli %select_n3A_698, %mul3A_699 : i32
        %dma_start3A_701 = arith.constant 4 : i32
        %dma_start3A_702 = arith.constant 0 : i32
        %dma_start3A_703 = arith.constant 0 : i32
        %dma_start3A_704 = tpu.memref_slice %arg6[%dma_start3A_701, %dma_start3A_702, %dma_start3A_703] : memref<8x128x64xf32, #tpu.memory_space<vmem>> -> memref<1x128x64xf32, #tpu.memory_space<vmem>>
        %dma_start3A_705 = tpu.memref_squeeze %dma_start3A_704 : memref<1x128x64xf32, #tpu.memory_space<vmem>> -> memref<128x64xf32, #tpu.memory_space<vmem>>
        %dma_start3A_706 = tpu.memref_slice %arg5[%select_n3A_682, %mul3A_700] : memref<50x512xi32, #tpu.memory_space<vmem>> -> memref<1x128xi32, #tpu.memory_space<vmem>>
        %dma_start3A_707 = tpu.memref_squeeze %dma_start3A_706 : memref<1x128xi32, #tpu.memory_space<vmem>> -> memref<128xi32, #tpu.memory_space<vmem>>
        %dma_start3A_708 = arith.constant 0 : i32
        %dma_start3A_709 = arith.constant 0 : i32
        %dma_start3A_710 = tpu.memref_slice %arg3[%dma_start3A_708, %dma_start3A_709] : memref<1024000x64xf32, #tpu.memory_space<hbm>> -> memref<1024000x64xf32, #tpu.memory_space<hbm>>
        tpu.enqueue_indirect_dma source(%dma_start3A_710 : memref<1024000x64xf32, #tpu.memory_space<hbm>>) target(%dma_start3A_705 : memref<128x64xf32, #tpu.memory_space<vmem>>) offsets(%dma_start3A_707 : memref<128xi32, #tpu.memory_space<vmem>>) semaphore(%arg7 : memref<!tpu.dma_semaphore, #tpu.memory_space<semaphore_mem>>)
      } else {
      }
      %add3A_463 = arith.constant 5 : i32
      %add3A_464 = arith.addi %mul3A_141, %add3A_463 : i32
      %jit3A_465 = arith.constant 4 : i32
      %div3A_466 = arith.divsi %add3A_464, %jit3A_465 : i32
      %sign3A_467 = arith.constant 0 : i32
      %sign3A_468 = arith.cmpi sgt, %add3A_464, %sign3A_467 : i32
      %sign3A_469 = arith.extui %sign3A_468 : i1 to i32
      %sign3A_470 = arith.constant 0 : i32
      %sign3A_471 = arith.cmpi slt, %add3A_464, %sign3A_470 : i32
      %sign3A_472 = arith.extui %sign3A_471 : i1 to i32
      %sign3A_473 = arith.subi %sign3A_469, %sign3A_472 : i32
      %sign3A_474 = arith.constant 0 : i32
      %sign3A_475 = arith.cmpi sgt, %jit3A_465, %sign3A_474 : i32
      %sign3A_476 = arith.extui %sign3A_475 : i1 to i32
      %sign3A_477 = arith.constant 0 : i32
      %sign3A_478 = arith.cmpi slt, %jit3A_465, %sign3A_477 : i32
      %sign3A_479 = arith.extui %sign3A_478 : i1 to i32
      %sign3A_480 = arith.subi %sign3A_476, %sign3A_479 : i32
      %ne3A_481 = arith.cmpi ne, %sign3A_473, %sign3A_480 : i32
      %rem3A_482 = arith.remsi %add3A_464, %jit3A_465 : i32
      %ne3A_483 = arith.constant 0 : i32
      %ne3A_484 = arith.cmpi ne, %rem3A_482, %ne3A_483 : i32
      %and3A_485 = arith.andi %ne3A_481, %ne3A_484 : i1
      %sub3A_486 = arith.constant 1 : i32
      %sub3A_487 = arith.subi %div3A_466, %sub3A_486 : i32
      %select_n3A_488 = arith.select %and3A_485, %sub3A_487, %div3A_466 : i32
      %jit3A_489 = arith.constant 4 : i32
      %eq3A_490 = arith.constant 0 : i32
      %eq3A_491 = arith.cmpi eq, %jit3A_489, %eq3A_490 : i32
      %jit3A_492 = arith.constant 1 : i32
      %select_n3A_493 = arith.select %eq3A_491, %jit3A_492, %jit3A_489 : i32
      %rem3A_494 = arith.remsi %add3A_464, %select_n3A_493 : i32
      %ne3A_495 = arith.constant 0 : i32
      %ne3A_496 = arith.cmpi ne, %rem3A_494, %ne3A_495 : i32
      %lt3A_497 = arith.constant 0 : i32
      %lt3A_498 = arith.cmpi slt, %rem3A_494, %lt3A_497 : i32
      %lt3A_499 = arith.constant 0 : i32
      %lt3A_500 = arith.cmpi slt, %select_n3A_493, %lt3A_499 : i32
      %ne3A_501 = arith.xori %lt3A_498, %lt3A_500 : i1
      %and3A_502 = arith.andi %ne3A_501, %ne3A_496 : i1
      %add3A_503 = arith.addi %rem3A_494, %select_n3A_493 : i32
      %select_n3A_504 = arith.select %and3A_502, %add3A_503, %rem3A_494 : i32
      %mul3A_505 = arith.constant 128 : i32
      %mul3A_506 = arith.muli %select_n3A_504, %mul3A_505 : i32
      %dma_wait3A_507 = arith.constant 0 : i32
      %dma_wait3A_508 = arith.constant 5 : i32
      %dma_wait3A_509 = arith.constant 0 : i32
      %dma_wait3A_510 = arith.constant 0 : i32
      %dma_wait3A_511 = tpu.memref_slice %arg6[%dma_wait3A_508, %dma_wait3A_509, %dma_wait3A_510] : memref<8x128x64xf32, #tpu.memory_space<vmem>> -> memref<1x128x64xf32, #tpu.memory_space<vmem>>
      %dma_wait3A_512 = tpu.memref_squeeze %dma_wait3A_511 : memref<1x128x64xf32, #tpu.memory_space<vmem>> -> memref<128x64xf32, #tpu.memory_space<vmem>>
      %dma_wait3A_513 = arith.constant 0 : i32
      %dma_wait3A_514 = tpu.memref_slice %arg5[%dma_wait3A_507, %dma_wait3A_513] : memref<50x512xi32, #tpu.memory_space<vmem>> -> memref<1x128xi32, #tpu.memory_space<vmem>>
      %dma_wait3A_515 = tpu.memref_squeeze %dma_wait3A_514 : memref<1x128xi32, #tpu.memory_space<vmem>> -> memref<128xi32, #tpu.memory_space<vmem>>
      %dma_wait3A_516 = arith.constant 0 : i32
      %dma_wait3A_517 = arith.constant 0 : i32
      %dma_wait3A_518 = tpu.memref_slice %arg3[%dma_wait3A_516, %dma_wait3A_517] : memref<1024000x64xf32, #tpu.memory_space<hbm>> -> memref<1024000x64xf32, #tpu.memory_space<hbm>>
      tpu.wait_indirect_dma semaphore(%arg7 : memref<!tpu.dma_semaphore, #tpu.memory_space<semaphore_mem>>) src(%dma_wait3A_518 : memref<1024000x64xf32, #tpu.memory_space<hbm>>) dst(%dma_wait3A_512 : memref<128x64xf32, #tpu.memory_space<vmem>>)
      %add3A_519 = arith.addi %mul3A_20, %mul3A_506 : i32
      %run_scoped3A_520 = arith.constant 5 : i32
      "tpu.region"() ({
        %run_scoped3A_659 = tpu.sem_alloc : memref<!tpu.dma_semaphore, #tpu.memory_space<semaphore_mem>>
        %dma_start3A_660 = arith.constant 0 : i32
        %dma_start3A_661 = arith.constant 0 : i32
        %dma_start3A_662 = tpu.memref_slice %arg6[%run_scoped3A_520, %dma_start3A_660, %dma_start3A_661] : memref<8x128x64xf32, #tpu.memory_space<vmem>> -> memref<1x128x64xf32, #tpu.memory_space<vmem>>
        %dma_start3A_663 = tpu.memref_squeeze %dma_start3A_662 : memref<1x128x64xf32, #tpu.memory_space<vmem>> -> memref<128x64xf32, #tpu.memory_space<vmem>>
        %dma_start3A_664 = tpu.memref_slice %arg4[%select_n3A_488, %add3A_519, %mul3A_36] : memref<50x8192x128xf32, #tpu.memory_space<hbm>> -> memref<1x128x64xf32, #tpu.memory_space<hbm>>
        %dma_start3A_665 = tpu.memref_squeeze %dma_start3A_664 : memref<1x128x64xf32, #tpu.memory_space<hbm>> -> memref<128x64xf32, #tpu.memory_space<hbm>>
        %dma_start3A_666 = tpu.memref_slice %arg4[%select_n3A_488, %add3A_519, %mul3A_36] : memref<50x8192x128xf32, #tpu.memory_space<hbm>> -> memref<1x128x64xf32, #tpu.memory_space<hbm>>
        %dma_start3A_667 = tpu.memref_squeeze %dma_start3A_666 : memref<1x128x64xf32, #tpu.memory_space<hbm>> -> memref<128x64xf32, #tpu.memory_space<hbm>>
        %dma_start3A_668 = arith.constant 0 : i32
        %dma_start3A_669 = arith.constant 0 : i32
        %dma_start3A_670 = tpu.memref_slice %arg6[%run_scoped3A_520, %dma_start3A_668, %dma_start3A_669] : memref<8x128x64xf32, #tpu.memory_space<vmem>> -> memref<1x128x64xf32, #tpu.memory_space<vmem>>
        %dma_start3A_671 = tpu.memref_squeeze %dma_start3A_670 : memref<1x128x64xf32, #tpu.memory_space<vmem>> -> memref<128x64xf32, #tpu.memory_space<vmem>>
        tpu.enqueue_dma source(%dma_start3A_671 : memref<128x64xf32, #tpu.memory_space<vmem>>) target(%dma_start3A_667 : memref<128x64xf32, #tpu.memory_space<hbm>>) target_semaphore(%run_scoped3A_659 : memref<!tpu.dma_semaphore, #tpu.memory_space<semaphore_mem>>)
        %dma_wait3A_672 = arith.constant 0 : i32
        %dma_wait3A_673 = arith.constant 0 : i32
        %dma_wait3A_674 = tpu.memref_slice %arg6[%run_scoped3A_520, %dma_wait3A_672, %dma_wait3A_673] : memref<8x128x64xf32, #tpu.memory_space<vmem>> -> memref<1x128x64xf32, #tpu.memory_space<vmem>>
        %dma_wait3A_675 = tpu.memref_squeeze %dma_wait3A_674 : memref<1x128x64xf32, #tpu.memory_space<vmem>> -> memref<128x64xf32, #tpu.memory_space<vmem>>
        %dma_wait3A_676 = tpu.memref_slice %arg4[%select_n3A_488, %add3A_519, %mul3A_36] : memref<50x8192x128xf32, #tpu.memory_space<hbm>> -> memref<1x128x64xf32, #tpu.memory_space<hbm>>
        %dma_wait3A_677 = tpu.memref_squeeze %dma_wait3A_676 : memref<1x128x64xf32, #tpu.memory_space<hbm>> -> memref<128x64xf32, #tpu.memory_space<hbm>>
        %dma_wait3A_678 = tpu.memref_slice %arg4[%select_n3A_488, %add3A_519, %mul3A_36] : memref<50x8192x128xf32, #tpu.memory_space<hbm>> -> memref<1x128x64xf32, #tpu.memory_space<hbm>>
        %dma_wait3A_679 = tpu.memref_squeeze %dma_wait3A_678 : memref<1x128x64xf32, #tpu.memory_space<hbm>> -> memref<128x64xf32, #tpu.memory_space<hbm>>
        %dma_wait3A_680 = arith.constant 0 : i32
        %dma_wait3A_681 = arith.constant 0 : i32
        %dma_wait3A_682 = tpu.memref_slice %arg6[%run_scoped3A_520, %dma_wait3A_680, %dma_wait3A_681] : memref<8x128x64xf32, #tpu.memory_space<vmem>> -> memref<1x128x64xf32, #tpu.memory_space<vmem>>
        %dma_wait3A_683 = tpu.memref_squeeze %dma_wait3A_682 : memref<1x128x64xf32, #tpu.memory_space<vmem>> -> memref<128x64xf32, #tpu.memory_space<vmem>>
        tpu.wait_dma2 semaphore(%run_scoped3A_659 : memref<!tpu.dma_semaphore, #tpu.memory_space<semaphore_mem>>) src(%dma_wait3A_683 : memref<128x64xf32, #tpu.memory_space<vmem>>) dst(%dma_wait3A_679 : memref<128x64xf32, #tpu.memory_space<hbm>>)
        tpu.yield
      }) : () -> ()
      %add3A_521 = arith.constant 8 : i32
      %add3A_522 = arith.addi %add3A_464, %add3A_521 : i32
      %lt3A_523 = arith.constant 200 : i32
      %lt3A_524 = arith.cmpi slt, %add3A_522, %lt3A_523 : i32
      %convert_element_type3A_525 = arith.extui %lt3A_524 : i1 to i32
      %cond3A_526 = arith.constant 0 : i32
      %cond3A_527 = arith.cmpi ne, %convert_element_type3A_525, %cond3A_526 : i32
      scf.if %cond3A_527 {
        %jit3A_659 = arith.constant 4 : i32
        %div3A_660 = arith.divsi %add3A_522, %jit3A_659 : i32
        %sign3A_661 = arith.constant 0 : i32
        %sign3A_662 = arith.cmpi sgt, %add3A_522, %sign3A_661 : i32
        %sign3A_663 = arith.extui %sign3A_662 : i1 to i32
        %sign3A_664 = arith.constant 0 : i32
        %sign3A_665 = arith.cmpi slt, %add3A_522, %sign3A_664 : i32
        %sign3A_666 = arith.extui %sign3A_665 : i1 to i32
        %sign3A_667 = arith.subi %sign3A_663, %sign3A_666 : i32
        %sign3A_668 = arith.constant 0 : i32
        %sign3A_669 = arith.cmpi sgt, %jit3A_659, %sign3A_668 : i32
        %sign3A_670 = arith.extui %sign3A_669 : i1 to i32
        %sign3A_671 = arith.constant 0 : i32
        %sign3A_672 = arith.cmpi slt, %jit3A_659, %sign3A_671 : i32
        %sign3A_673 = arith.extui %sign3A_672 : i1 to i32
        %sign3A_674 = arith.subi %sign3A_670, %sign3A_673 : i32
        %ne3A_675 = arith.cmpi ne, %sign3A_667, %sign3A_674 : i32
        %rem3A_676 = arith.remsi %add3A_522, %jit3A_659 : i32
        %ne3A_677 = arith.constant 0 : i32
        %ne3A_678 = arith.cmpi ne, %rem3A_676, %ne3A_677 : i32
        %and3A_679 = arith.andi %ne3A_675, %ne3A_678 : i1
        %sub3A_680 = arith.constant 1 : i32
        %sub3A_681 = arith.subi %div3A_660, %sub3A_680 : i32
        %select_n3A_682 = arith.select %and3A_679, %sub3A_681, %div3A_660 : i32
        %jit3A_683 = arith.constant 4 : i32
        %eq3A_684 = arith.constant 0 : i32
        %eq3A_685 = arith.cmpi eq, %jit3A_683, %eq3A_684 : i32
        %jit3A_686 = arith.constant 1 : i32
        %select_n3A_687 = arith.select %eq3A_685, %jit3A_686, %jit3A_683 : i32
        %rem3A_688 = arith.remsi %add3A_522, %select_n3A_687 : i32
        %ne3A_689 = arith.constant 0 : i32
        %ne3A_690 = arith.cmpi ne, %rem3A_688, %ne3A_689 : i32
        %lt3A_691 = arith.constant 0 : i32
        %lt3A_692 = arith.cmpi slt, %rem3A_688, %lt3A_691 : i32
        %lt3A_693 = arith.constant 0 : i32
        %lt3A_694 = arith.cmpi slt, %select_n3A_687, %lt3A_693 : i32
        %ne3A_695 = arith.xori %lt3A_692, %lt3A_694 : i1
        %and3A_696 = arith.andi %ne3A_695, %ne3A_690 : i1
        %add3A_697 = arith.addi %rem3A_688, %select_n3A_687 : i32
        %select_n3A_698 = arith.select %and3A_696, %add3A_697, %rem3A_688 : i32
        %mul3A_699 = arith.constant 128 : i32
        %mul3A_700 = arith.muli %select_n3A_698, %mul3A_699 : i32
        %dma_start3A_701 = arith.constant 5 : i32
        %dma_start3A_702 = arith.constant 0 : i32
        %dma_start3A_703 = arith.constant 0 : i32
        %dma_start3A_704 = tpu.memref_slice %arg6[%dma_start3A_701, %dma_start3A_702, %dma_start3A_703] : memref<8x128x64xf32, #tpu.memory_space<vmem>> -> memref<1x128x64xf32, #tpu.memory_space<vmem>>
        %dma_start3A_705 = tpu.memref_squeeze %dma_start3A_704 : memref<1x128x64xf32, #tpu.memory_space<vmem>> -> memref<128x64xf32, #tpu.memory_space<vmem>>
        %dma_start3A_706 = tpu.memref_slice %arg5[%select_n3A_682, %mul3A_700] : memref<50x512xi32, #tpu.memory_space<vmem>> -> memref<1x128xi32, #tpu.memory_space<vmem>>
        %dma_start3A_707 = tpu.memref_squeeze %dma_start3A_706 : memref<1x128xi32, #tpu.memory_space<vmem>> -> memref<128xi32, #tpu.memory_space<vmem>>
        %dma_start3A_708 = arith.constant 0 : i32
        %dma_start3A_709 = arith.constant 0 : i32
        %dma_start3A_710 = tpu.memref_slice %arg3[%dma_start3A_708, %dma_start3A_709] : memref<1024000x64xf32, #tpu.memory_space<hbm>> -> memref<1024000x64xf32, #tpu.memory_space<hbm>>
        tpu.enqueue_indirect_dma source(%dma_start3A_710 : memref<1024000x64xf32, #tpu.memory_space<hbm>>) target(%dma_start3A_705 : memref<128x64xf32, #tpu.memory_space<vmem>>) offsets(%dma_start3A_707 : memref<128xi32, #tpu.memory_space<vmem>>) semaphore(%arg7 : memref<!tpu.dma_semaphore, #tpu.memory_space<semaphore_mem>>)
      } else {
      }
      %add3A_528 = arith.constant 6 : i32
      %add3A_529 = arith.addi %mul3A_141, %add3A_528 : i32
      %jit3A_530 = arith.constant 4 : i32
      %div3A_531 = arith.divsi %add3A_529, %jit3A_530 : i32
      %sign3A_532 = arith.constant 0 : i32
      %sign3A_533 = arith.cmpi sgt, %add3A_529, %sign3A_532 : i32
      %sign3A_534 = arith.extui %sign3A_533 : i1 to i32
      %sign3A_535 = arith.constant 0 : i32
      %sign3A_536 = arith.cmpi slt, %add3A_529, %sign3A_535 : i32
      %sign3A_537 = arith.extui %sign3A_536 : i1 to i32
      %sign3A_538 = arith.subi %sign3A_534, %sign3A_537 : i32
      %sign3A_539 = arith.constant 0 : i32
      %sign3A_540 = arith.cmpi sgt, %jit3A_530, %sign3A_539 : i32
      %sign3A_541 = arith.extui %sign3A_540 : i1 to i32
      %sign3A_542 = arith.constant 0 : i32
      %sign3A_543 = arith.cmpi slt, %jit3A_530, %sign3A_542 : i32
      %sign3A_544 = arith.extui %sign3A_543 : i1 to i32
      %sign3A_545 = arith.subi %sign3A_541, %sign3A_544 : i32
      %ne3A_546 = arith.cmpi ne, %sign3A_538, %sign3A_545 : i32
      %rem3A_547 = arith.remsi %add3A_529, %jit3A_530 : i32
      %ne3A_548 = arith.constant 0 : i32
      %ne3A_549 = arith.cmpi ne, %rem3A_547, %ne3A_548 : i32
      %and3A_550 = arith.andi %ne3A_546, %ne3A_549 : i1
      %sub3A_551 = arith.constant 1 : i32
      %sub3A_552 = arith.subi %div3A_531, %sub3A_551 : i32
      %select_n3A_553 = arith.select %and3A_550, %sub3A_552, %div3A_531 : i32
      %jit3A_554 = arith.constant 4 : i32
      %eq3A_555 = arith.constant 0 : i32
      %eq3A_556 = arith.cmpi eq, %jit3A_554, %eq3A_555 : i32
      %jit3A_557 = arith.constant 1 : i32
      %select_n3A_558 = arith.select %eq3A_556, %jit3A_557, %jit3A_554 : i32
      %rem3A_559 = arith.remsi %add3A_529, %select_n3A_558 : i32
      %ne3A_560 = arith.constant 0 : i32
      %ne3A_561 = arith.cmpi ne, %rem3A_559, %ne3A_560 : i32
      %lt3A_562 = arith.constant 0 : i32
      %lt3A_563 = arith.cmpi slt, %rem3A_559, %lt3A_562 : i32
      %lt3A_564 = arith.constant 0 : i32
      %lt3A_565 = arith.cmpi slt, %select_n3A_558, %lt3A_564 : i32
      %ne3A_566 = arith.xori %lt3A_563, %lt3A_565 : i1
      %and3A_567 = arith.andi %ne3A_566, %ne3A_561 : i1
      %add3A_568 = arith.addi %rem3A_559, %select_n3A_558 : i32
      %select_n3A_569 = arith.select %and3A_567, %add3A_568, %rem3A_559 : i32
      %mul3A_570 = arith.constant 128 : i32
      %mul3A_571 = arith.muli %select_n3A_569, %mul3A_570 : i32
      %dma_wait3A_572 = arith.constant 0 : i32
      %dma_wait3A_573 = arith.constant 6 : i32
      %dma_wait3A_574 = arith.constant 0 : i32
      %dma_wait3A_575 = arith.constant 0 : i32
      %dma_wait3A_576 = tpu.memref_slice %arg6[%dma_wait3A_573, %dma_wait3A_574, %dma_wait3A_575] : memref<8x128x64xf32, #tpu.memory_space<vmem>> -> memref<1x128x64xf32, #tpu.memory_space<vmem>>
      %dma_wait3A_577 = tpu.memref_squeeze %dma_wait3A_576 : memref<1x128x64xf32, #tpu.memory_space<vmem>> -> memref<128x64xf32, #tpu.memory_space<vmem>>
      %dma_wait3A_578 = arith.constant 0 : i32
      %dma_wait3A_579 = tpu.memref_slice %arg5[%dma_wait3A_572, %dma_wait3A_578] : memref<50x512xi32, #tpu.memory_space<vmem>> -> memref<1x128xi32, #tpu.memory_space<vmem>>
      %dma_wait3A_580 = tpu.memref_squeeze %dma_wait3A_579 : memref<1x128xi32, #tpu.memory_space<vmem>> -> memref<128xi32, #tpu.memory_space<vmem>>
      %dma_wait3A_581 = arith.constant 0 : i32
      %dma_wait3A_582 = arith.constant 0 : i32
      %dma_wait3A_583 = tpu.memref_slice %arg3[%dma_wait3A_581, %dma_wait3A_582] : memref<1024000x64xf32, #tpu.memory_space<hbm>> -> memref<1024000x64xf32, #tpu.memory_space<hbm>>
      tpu.wait_indirect_dma semaphore(%arg7 : memref<!tpu.dma_semaphore, #tpu.memory_space<semaphore_mem>>) src(%dma_wait3A_583 : memref<1024000x64xf32, #tpu.memory_space<hbm>>) dst(%dma_wait3A_577 : memref<128x64xf32, #tpu.memory_space<vmem>>)
      %add3A_584 = arith.addi %mul3A_20, %mul3A_571 : i32
      %run_scoped3A_585 = arith.constant 6 : i32
      "tpu.region"() ({
        %run_scoped3A_659 = tpu.sem_alloc : memref<!tpu.dma_semaphore, #tpu.memory_space<semaphore_mem>>
        %dma_start3A_660 = arith.constant 0 : i32
        %dma_start3A_661 = arith.constant 0 : i32
        %dma_start3A_662 = tpu.memref_slice %arg6[%run_scoped3A_585, %dma_start3A_660, %dma_start3A_661] : memref<8x128x64xf32, #tpu.memory_space<vmem>> -> memref<1x128x64xf32, #tpu.memory_space<vmem>>
        %dma_start3A_663 = tpu.memref_squeeze %dma_start3A_662 : memref<1x128x64xf32, #tpu.memory_space<vmem>> -> memref<128x64xf32, #tpu.memory_space<vmem>>
        %dma_start3A_664 = tpu.memref_slice %arg4[%select_n3A_553, %add3A_584, %mul3A_36] : memref<50x8192x128xf32, #tpu.memory_space<hbm>> -> memref<1x128x64xf32, #tpu.memory_space<hbm>>
        %dma_start3A_665 = tpu.memref_squeeze %dma_start3A_664 : memref<1x128x64xf32, #tpu.memory_space<hbm>> -> memref<128x64xf32, #tpu.memory_space<hbm>>
        %dma_start3A_666 = tpu.memref_slice %arg4[%select_n3A_553, %add3A_584, %mul3A_36] : memref<50x8192x128xf32, #tpu.memory_space<hbm>> -> memref<1x128x64xf32, #tpu.memory_space<hbm>>
        %dma_start3A_667 = tpu.memref_squeeze %dma_start3A_666 : memref<1x128x64xf32, #tpu.memory_space<hbm>> -> memref<128x64xf32, #tpu.memory_space<hbm>>
        %dma_start3A_668 = arith.constant 0 : i32
        %dma_start3A_669 = arith.constant 0 : i32
        %dma_start3A_670 = tpu.memref_slice %arg6[%run_scoped3A_585, %dma_start3A_668, %dma_start3A_669] : memref<8x128x64xf32, #tpu.memory_space<vmem>> -> memref<1x128x64xf32, #tpu.memory_space<vmem>>
        %dma_start3A_671 = tpu.memref_squeeze %dma_start3A_670 : memref<1x128x64xf32, #tpu.memory_space<vmem>> -> memref<128x64xf32, #tpu.memory_space<vmem>>
        tpu.enqueue_dma source(%dma_start3A_671 : memref<128x64xf32, #tpu.memory_space<vmem>>) target(%dma_start3A_667 : memref<128x64xf32, #tpu.memory_space<hbm>>) target_semaphore(%run_scoped3A_659 : memref<!tpu.dma_semaphore, #tpu.memory_space<semaphore_mem>>)
        %dma_wait3A_672 = arith.constant 0 : i32
        %dma_wait3A_673 = arith.constant 0 : i32
        %dma_wait3A_674 = tpu.memref_slice %arg6[%run_scoped3A_585, %dma_wait3A_672, %dma_wait3A_673] : memref<8x128x64xf32, #tpu.memory_space<vmem>> -> memref<1x128x64xf32, #tpu.memory_space<vmem>>
        %dma_wait3A_675 = tpu.memref_squeeze %dma_wait3A_674 : memref<1x128x64xf32, #tpu.memory_space<vmem>> -> memref<128x64xf32, #tpu.memory_space<vmem>>
        %dma_wait3A_676 = tpu.memref_slice %arg4[%select_n3A_553, %add3A_584, %mul3A_36] : memref<50x8192x128xf32, #tpu.memory_space<hbm>> -> memref<1x128x64xf32, #tpu.memory_space<hbm>>
        %dma_wait3A_677 = tpu.memref_squeeze %dma_wait3A_676 : memref<1x128x64xf32, #tpu.memory_space<hbm>> -> memref<128x64xf32, #tpu.memory_space<hbm>>
        %dma_wait3A_678 = tpu.memref_slice %arg4[%select_n3A_553, %add3A_584, %mul3A_36] : memref<50x8192x128xf32, #tpu.memory_space<hbm>> -> memref<1x128x64xf32, #tpu.memory_space<hbm>>
        %dma_wait3A_679 = tpu.memref_squeeze %dma_wait3A_678 : memref<1x128x64xf32, #tpu.memory_space<hbm>> -> memref<128x64xf32, #tpu.memory_space<hbm>>
        %dma_wait3A_680 = arith.constant 0 : i32
        %dma_wait3A_681 = arith.constant 0 : i32
        %dma_wait3A_682 = tpu.memref_slice %arg6[%run_scoped3A_585, %dma_wait3A_680, %dma_wait3A_681] : memref<8x128x64xf32, #tpu.memory_space<vmem>> -> memref<1x128x64xf32, #tpu.memory_space<vmem>>
        %dma_wait3A_683 = tpu.memref_squeeze %dma_wait3A_682 : memref<1x128x64xf32, #tpu.memory_space<vmem>> -> memref<128x64xf32, #tpu.memory_space<vmem>>
        tpu.wait_dma2 semaphore(%run_scoped3A_659 : memref<!tpu.dma_semaphore, #tpu.memory_space<semaphore_mem>>) src(%dma_wait3A_683 : memref<128x64xf32, #tpu.memory_space<vmem>>) dst(%dma_wait3A_679 : memref<128x64xf32, #tpu.memory_space<hbm>>)
        tpu.yield
      }) : () -> ()
      %add3A_586 = arith.constant 8 : i32
      %add3A_587 = arith.addi %add3A_529, %add3A_586 : i32
      %lt3A_588 = arith.constant 200 : i32
      %lt3A_589 = arith.cmpi slt, %add3A_587, %lt3A_588 : i32
      %convert_element_type3A_590 = arith.extui %lt3A_589 : i1 to i32
      %cond3A_591 = arith.constant 0 : i32
      %cond3A_592 = arith.cmpi ne, %convert_element_type3A_590, %cond3A_591 : i32
      scf.if %cond3A_592 {
        %jit3A_659 = arith.constant 4 : i32
        %div3A_660 = arith.divsi %add3A_587, %jit3A_659 : i32
        %sign3A_661 = arith.constant 0 : i32
        %sign3A_662 = arith.cmpi sgt, %add3A_587, %sign3A_661 : i32
        %sign3A_663 = arith.extui %sign3A_662 : i1 to i32
        %sign3A_664 = arith.constant 0 : i32
        %sign3A_665 = arith.cmpi slt, %add3A_587, %sign3A_664 : i32
        %sign3A_666 = arith.extui %sign3A_665 : i1 to i32
        %sign3A_667 = arith.subi %sign3A_663, %sign3A_666 : i32
        %sign3A_668 = arith.constant 0 : i32
        %sign3A_669 = arith.cmpi sgt, %jit3A_659, %sign3A_668 : i32
        %sign3A_670 = arith.extui %sign3A_669 : i1 to i32
        %sign3A_671 = arith.constant 0 : i32
        %sign3A_672 = arith.cmpi slt, %jit3A_659, %sign3A_671 : i32
        %sign3A_673 = arith.extui %sign3A_672 : i1 to i32
        %sign3A_674 = arith.subi %sign3A_670, %sign3A_673 : i32
        %ne3A_675 = arith.cmpi ne, %sign3A_667, %sign3A_674 : i32
        %rem3A_676 = arith.remsi %add3A_587, %jit3A_659 : i32
        %ne3A_677 = arith.constant 0 : i32
        %ne3A_678 = arith.cmpi ne, %rem3A_676, %ne3A_677 : i32
        %and3A_679 = arith.andi %ne3A_675, %ne3A_678 : i1
        %sub3A_680 = arith.constant 1 : i32
        %sub3A_681 = arith.subi %div3A_660, %sub3A_680 : i32
        %select_n3A_682 = arith.select %and3A_679, %sub3A_681, %div3A_660 : i32
        %jit3A_683 = arith.constant 4 : i32
        %eq3A_684 = arith.constant 0 : i32
        %eq3A_685 = arith.cmpi eq, %jit3A_683, %eq3A_684 : i32
        %jit3A_686 = arith.constant 1 : i32
        %select_n3A_687 = arith.select %eq3A_685, %jit3A_686, %jit3A_683 : i32
        %rem3A_688 = arith.remsi %add3A_587, %select_n3A_687 : i32
        %ne3A_689 = arith.constant 0 : i32
        %ne3A_690 = arith.cmpi ne, %rem3A_688, %ne3A_689 : i32
        %lt3A_691 = arith.constant 0 : i32
        %lt3A_692 = arith.cmpi slt, %rem3A_688, %lt3A_691 : i32
        %lt3A_693 = arith.constant 0 : i32
        %lt3A_694 = arith.cmpi slt, %select_n3A_687, %lt3A_693 : i32
        %ne3A_695 = arith.xori %lt3A_692, %lt3A_694 : i1
        %and3A_696 = arith.andi %ne3A_695, %ne3A_690 : i1
        %add3A_697 = arith.addi %rem3A_688, %select_n3A_687 : i32
        %select_n3A_698 = arith.select %and3A_696, %add3A_697, %rem3A_688 : i32
        %mul3A_699 = arith.constant 128 : i32
        %mul3A_700 = arith.muli %select_n3A_698, %mul3A_699 : i32
        %dma_start3A_701 = arith.constant 6 : i32
        %dma_start3A_702 = arith.constant 0 : i32
        %dma_start3A_703 = arith.constant 0 : i32
        %dma_start3A_704 = tpu.memref_slice %arg6[%dma_start3A_701, %dma_start3A_702, %dma_start3A_703] : memref<8x128x64xf32, #tpu.memory_space<vmem>> -> memref<1x128x64xf32, #tpu.memory_space<vmem>>
        %dma_start3A_705 = tpu.memref_squeeze %dma_start3A_704 : memref<1x128x64xf32, #tpu.memory_space<vmem>> -> memref<128x64xf32, #tpu.memory_space<vmem>>
        %dma_start3A_706 = tpu.memref_slice %arg5[%select_n3A_682, %mul3A_700] : memref<50x512xi32, #tpu.memory_space<vmem>> -> memref<1x128xi32, #tpu.memory_space<vmem>>
        %dma_start3A_707 = tpu.memref_squeeze %dma_start3A_706 : memref<1x128xi32, #tpu.memory_space<vmem>> -> memref<128xi32, #tpu.memory_space<vmem>>
        %dma_start3A_708 = arith.constant 0 : i32
        %dma_start3A_709 = arith.constant 0 : i32
        %dma_start3A_710 = tpu.memref_slice %arg3[%dma_start3A_708, %dma_start3A_709] : memref<1024000x64xf32, #tpu.memory_space<hbm>> -> memref<1024000x64xf32, #tpu.memory_space<hbm>>
        tpu.enqueue_indirect_dma source(%dma_start3A_710 : memref<1024000x64xf32, #tpu.memory_space<hbm>>) target(%dma_start3A_705 : memref<128x64xf32, #tpu.memory_space<vmem>>) offsets(%dma_start3A_707 : memref<128xi32, #tpu.memory_space<vmem>>) semaphore(%arg7 : memref<!tpu.dma_semaphore, #tpu.memory_space<semaphore_mem>>)
      } else {
      }
      %add3A_593 = arith.constant 7 : i32
      %add3A_594 = arith.addi %mul3A_141, %add3A_593 : i32
      %jit3A_595 = arith.constant 4 : i32
      %div3A_596 = arith.divsi %add3A_594, %jit3A_595 : i32
      %sign3A_597 = arith.constant 0 : i32
      %sign3A_598 = arith.cmpi sgt, %add3A_594, %sign3A_597 : i32
      %sign3A_599 = arith.extui %sign3A_598 : i1 to i32
      %sign3A_600 = arith.constant 0 : i32
      %sign3A_601 = arith.cmpi slt, %add3A_594, %sign3A_600 : i32
      %sign3A_602 = arith.extui %sign3A_601 : i1 to i32
      %sign3A_603 = arith.subi %sign3A_599, %sign3A_602 : i32
      %sign3A_604 = arith.constant 0 : i32
      %sign3A_605 = arith.cmpi sgt, %jit3A_595, %sign3A_604 : i32
      %sign3A_606 = arith.extui %sign3A_605 : i1 to i32
      %sign3A_607 = arith.constant 0 : i32
      %sign3A_608 = arith.cmpi slt, %jit3A_595, %sign3A_607 : i32
      %sign3A_609 = arith.extui %sign3A_608 : i1 to i32
      %sign3A_610 = arith.subi %sign3A_606, %sign3A_609 : i32
      %ne3A_611 = arith.cmpi ne, %sign3A_603, %sign3A_610 : i32
      %rem3A_612 = arith.remsi %add3A_594, %jit3A_595 : i32
      %ne3A_613 = arith.constant 0 : i32
      %ne3A_614 = arith.cmpi ne, %rem3A_612, %ne3A_613 : i32
      %and3A_615 = arith.andi %ne3A_611, %ne3A_614 : i1
      %sub3A_616 = arith.constant 1 : i32
      %sub3A_617 = arith.subi %div3A_596, %sub3A_616 : i32
      %select_n3A_618 = arith.select %and3A_615, %sub3A_617, %div3A_596 : i32
      %jit3A_619 = arith.constant 4 : i32
      %eq3A_620 = arith.constant 0 : i32
      %eq3A_621 = arith.cmpi eq, %jit3A_619, %eq3A_620 : i32
      %jit3A_622 = arith.constant 1 : i32
      %select_n3A_623 = arith.select %eq3A_621, %jit3A_622, %jit3A_619 : i32
      %rem3A_624 = arith.remsi %add3A_594, %select_n3A_623 : i32
      %ne3A_625 = arith.constant 0 : i32
      %ne3A_626 = arith.cmpi ne, %rem3A_624, %ne3A_625 : i32
      %lt3A_627 = arith.constant 0 : i32
      %lt3A_628 = arith.cmpi slt, %rem3A_624, %lt3A_627 : i32
      %lt3A_629 = arith.constant 0 : i32
      %lt3A_630 = arith.cmpi slt, %select_n3A_623, %lt3A_629 : i32
      %ne3A_631 = arith.xori %lt3A_628, %lt3A_630 : i1
      %and3A_632 = arith.andi %ne3A_631, %ne3A_626 : i1
      %add3A_633 = arith.addi %rem3A_624, %select_n3A_623 : i32
      %select_n3A_634 = arith.select %and3A_632, %add3A_633, %rem3A_624 : i32
      %mul3A_635 = arith.constant 128 : i32
      %mul3A_636 = arith.muli %select_n3A_634, %mul3A_635 : i32
      %dma_wait3A_637 = arith.constant 0 : i32
      %dma_wait3A_638 = arith.constant 7 : i32
      %dma_wait3A_639 = arith.constant 0 : i32
      %dma_wait3A_640 = arith.constant 0 : i32
      %dma_wait3A_641 = tpu.memref_slice %arg6[%dma_wait3A_638, %dma_wait3A_639, %dma_wait3A_640] : memref<8x128x64xf32, #tpu.memory_space<vmem>> -> memref<1x128x64xf32, #tpu.memory_space<vmem>>
      %dma_wait3A_642 = tpu.memref_squeeze %dma_wait3A_641 : memref<1x128x64xf32, #tpu.memory_space<vmem>> -> memref<128x64xf32, #tpu.memory_space<vmem>>
      %dma_wait3A_643 = arith.constant 0 : i32
      %dma_wait3A_644 = tpu.memref_slice %arg5[%dma_wait3A_637, %dma_wait3A_643] : memref<50x512xi32, #tpu.memory_space<vmem>> -> memref<1x128xi32, #tpu.memory_space<vmem>>
      %dma_wait3A_645 = tpu.memref_squeeze %dma_wait3A_644 : memref<1x128xi32, #tpu.memory_space<vmem>> -> memref<128xi32, #tpu.memory_space<vmem>>
      %dma_wait3A_646 = arith.constant 0 : i32
      %dma_wait3A_647 = arith.constant 0 : i32
      %dma_wait3A_648 = tpu.memref_slice %arg3[%dma_wait3A_646, %dma_wait3A_647] : memref<1024000x64xf32, #tpu.memory_space<hbm>> -> memref<1024000x64xf32, #tpu.memory_space<hbm>>
      tpu.wait_indirect_dma semaphore(%arg7 : memref<!tpu.dma_semaphore, #tpu.memory_space<semaphore_mem>>) src(%dma_wait3A_648 : memref<1024000x64xf32, #tpu.memory_space<hbm>>) dst(%dma_wait3A_642 : memref<128x64xf32, #tpu.memory_space<vmem>>)
      %add3A_649 = arith.addi %mul3A_20, %mul3A_636 : i32
      %run_scoped3A_650 = arith.constant 7 : i32
      "tpu.region"() ({
        %run_scoped3A_659 = tpu.sem_alloc : memref<!tpu.dma_semaphore, #tpu.memory_space<semaphore_mem>>
        %dma_start3A_660 = arith.constant 0 : i32
        %dma_start3A_661 = arith.constant 0 : i32
        %dma_start3A_662 = tpu.memref_slice %arg6[%run_scoped3A_650, %dma_start3A_660, %dma_start3A_661] : memref<8x128x64xf32, #tpu.memory_space<vmem>> -> memref<1x128x64xf32, #tpu.memory_space<vmem>>
        %dma_start3A_663 = tpu.memref_squeeze %dma_start3A_662 : memref<1x128x64xf32, #tpu.memory_space<vmem>> -> memref<128x64xf32, #tpu.memory_space<vmem>>
        %dma_start3A_664 = tpu.memref_slice %arg4[%select_n3A_618, %add3A_649, %mul3A_36] : memref<50x8192x128xf32, #tpu.memory_space<hbm>> -> memref<1x128x64xf32, #tpu.memory_space<hbm>>
        %dma_start3A_665 = tpu.memref_squeeze %dma_start3A_664 : memref<1x128x64xf32, #tpu.memory_space<hbm>> -> memref<128x64xf32, #tpu.memory_space<hbm>>
        %dma_start3A_666 = tpu.memref_slice %arg4[%select_n3A_618, %add3A_649, %mul3A_36] : memref<50x8192x128xf32, #tpu.memory_space<hbm>> -> memref<1x128x64xf32, #tpu.memory_space<hbm>>
        %dma_start3A_667 = tpu.memref_squeeze %dma_start3A_666 : memref<1x128x64xf32, #tpu.memory_space<hbm>> -> memref<128x64xf32, #tpu.memory_space<hbm>>
        %dma_start3A_668 = arith.constant 0 : i32
        %dma_start3A_669 = arith.constant 0 : i32
        %dma_start3A_670 = tpu.memref_slice %arg6[%run_scoped3A_650, %dma_start3A_668, %dma_start3A_669] : memref<8x128x64xf32, #tpu.memory_space<vmem>> -> memref<1x128x64xf32, #tpu.memory_space<vmem>>
        %dma_start3A_671 = tpu.memref_squeeze %dma_start3A_670 : memref<1x128x64xf32, #tpu.memory_space<vmem>> -> memref<128x64xf32, #tpu.memory_space<vmem>>
        tpu.enqueue_dma source(%dma_start3A_671 : memref<128x64xf32, #tpu.memory_space<vmem>>) target(%dma_start3A_667 : memref<128x64xf32, #tpu.memory_space<hbm>>) target_semaphore(%run_scoped3A_659 : memref<!tpu.dma_semaphore, #tpu.memory_space<semaphore_mem>>)
        %dma_wait3A_672 = arith.constant 0 : i32
        %dma_wait3A_673 = arith.constant 0 : i32
        %dma_wait3A_674 = tpu.memref_slice %arg6[%run_scoped3A_650, %dma_wait3A_672, %dma_wait3A_673] : memref<8x128x64xf32, #tpu.memory_space<vmem>> -> memref<1x128x64xf32, #tpu.memory_space<vmem>>
        %dma_wait3A_675 = tpu.memref_squeeze %dma_wait3A_674 : memref<1x128x64xf32, #tpu.memory_space<vmem>> -> memref<128x64xf32, #tpu.memory_space<vmem>>
        %dma_wait3A_676 = tpu.memref_slice %arg4[%select_n3A_618, %add3A_649, %mul3A_36] : memref<50x8192x128xf32, #tpu.memory_space<hbm>> -> memref<1x128x64xf32, #tpu.memory_space<hbm>>
        %dma_wait3A_677 = tpu.memref_squeeze %dma_wait3A_676 : memref<1x128x64xf32, #tpu.memory_space<hbm>> -> memref<128x64xf32, #tpu.memory_space<hbm>>
        %dma_wait3A_678 = tpu.memref_slice %arg4[%select_n3A_618, %add3A_649, %mul3A_36] : memref<50x8192x128xf32, #tpu.memory_space<hbm>> -> memref<1x128x64xf32, #tpu.memory_space<hbm>>
        %dma_wait3A_679 = tpu.memref_squeeze %dma_wait3A_678 : memref<1x128x64xf32, #tpu.memory_space<hbm>> -> memref<128x64xf32, #tpu.memory_space<hbm>>
        %dma_wait3A_680 = arith.constant 0 : i32
        %dma_wait3A_681 = arith.constant 0 : i32
        %dma_wait3A_682 = tpu.memref_slice %arg6[%run_scoped3A_650, %dma_wait3A_680, %dma_wait3A_681] : memref<8x128x64xf32, #tpu.memory_space<vmem>> -> memref<1x128x64xf32, #tpu.memory_space<vmem>>
        %dma_wait3A_683 = tpu.memref_squeeze %dma_wait3A_682 : memref<1x128x64xf32, #tpu.memory_space<vmem>> -> memref<128x64xf32, #tpu.memory_space<vmem>>
        tpu.wait_dma2 semaphore(%run_scoped3A_659 : memref<!tpu.dma_semaphore, #tpu.memory_space<semaphore_mem>>) src(%dma_wait3A_683 : memref<128x64xf32, #tpu.memory_space<vmem>>) dst(%dma_wait3A_679 : memref<128x64xf32, #tpu.memory_space<hbm>>)
        tpu.yield
      }) : () -> ()
      %add3A_651 = arith.constant 8 : i32
      %add3A_652 = arith.addi %add3A_594, %add3A_651 : i32
      %lt3A_653 = arith.constant 200 : i32
      %lt3A_654 = arith.cmpi slt, %add3A_652, %lt3A_653 : i32
      %convert_element_type3A_655 = arith.extui %lt3A_654 : i1 to i32
      %cond3A_656 = arith.constant 0 : i32
      %cond3A_657 = arith.cmpi ne, %convert_element_type3A_655, %cond3A_656 : i32
      scf.if %cond3A_657 {
        %jit3A_659 = arith.constant 4 : i32
        %div3A_660 = arith.divsi %add3A_652, %jit3A_659 : i32
        %sign3A_661 = arith.constant 0 : i32
        %sign3A_662 = arith.cmpi sgt, %add3A_652, %sign3A_661 : i32
        %sign3A_663 = arith.extui %sign3A_662 : i1 to i32
        %sign3A_664 = arith.constant 0 : i32
        %sign3A_665 = arith.cmpi slt, %add3A_652, %sign3A_664 : i32
        %sign3A_666 = arith.extui %sign3A_665 : i1 to i32
        %sign3A_667 = arith.subi %sign3A_663, %sign3A_666 : i32
        %sign3A_668 = arith.constant 0 : i32
        %sign3A_669 = arith.cmpi sgt, %jit3A_659, %sign3A_668 : i32
        %sign3A_670 = arith.extui %sign3A_669 : i1 to i32
        %sign3A_671 = arith.constant 0 : i32
        %sign3A_672 = arith.cmpi slt, %jit3A_659, %sign3A_671 : i32
        %sign3A_673 = arith.extui %sign3A_672 : i1 to i32
        %sign3A_674 = arith.subi %sign3A_670, %sign3A_673 : i32
        %ne3A_675 = arith.cmpi ne, %sign3A_667, %sign3A_674 : i32
        %rem3A_676 = arith.remsi %add3A_652, %jit3A_659 : i32
        %ne3A_677 = arith.constant 0 : i32
        %ne3A_678 = arith.cmpi ne, %rem3A_676, %ne3A_677 : i32
        %and3A_679 = arith.andi %ne3A_675, %ne3A_678 : i1
        %sub3A_680 = arith.constant 1 : i32
        %sub3A_681 = arith.subi %div3A_660, %sub3A_680 : i32
        %select_n3A_682 = arith.select %and3A_679, %sub3A_681, %div3A_660 : i32
        %jit3A_683 = arith.constant 4 : i32
        %eq3A_684 = arith.constant 0 : i32
        %eq3A_685 = arith.cmpi eq, %jit3A_683, %eq3A_684 : i32
        %jit3A_686 = arith.constant 1 : i32
        %select_n3A_687 = arith.select %eq3A_685, %jit3A_686, %jit3A_683 : i32
        %rem3A_688 = arith.remsi %add3A_652, %select_n3A_687 : i32
        %ne3A_689 = arith.constant 0 : i32
        %ne3A_690 = arith.cmpi ne, %rem3A_688, %ne3A_689 : i32
        %lt3A_691 = arith.constant 0 : i32
        %lt3A_692 = arith.cmpi slt, %rem3A_688, %lt3A_691 : i32
        %lt3A_693 = arith.constant 0 : i32
        %lt3A_694 = arith.cmpi slt, %select_n3A_687, %lt3A_693 : i32
        %ne3A_695 = arith.xori %lt3A_692, %lt3A_694 : i1
        %and3A_696 = arith.andi %ne3A_695, %ne3A_690 : i1
        %add3A_697 = arith.addi %rem3A_688, %select_n3A_687 : i32
        %select_n3A_698 = arith.select %and3A_696, %add3A_697, %rem3A_688 : i32
        %mul3A_699 = arith.constant 128 : i32
        %mul3A_700 = arith.muli %select_n3A_698, %mul3A_699 : i32
        %dma_start3A_701 = arith.constant 7 : i32
        %dma_start3A_702 = arith.constant 0 : i32
        %dma_start3A_703 = arith.constant 0 : i32
        %dma_start3A_704 = tpu.memref_slice %arg6[%dma_start3A_701, %dma_start3A_702, %dma_start3A_703] : memref<8x128x64xf32, #tpu.memory_space<vmem>> -> memref<1x128x64xf32, #tpu.memory_space<vmem>>
        %dma_start3A_705 = tpu.memref_squeeze %dma_start3A_704 : memref<1x128x64xf32, #tpu.memory_space<vmem>> -> memref<128x64xf32, #tpu.memory_space<vmem>>
        %dma_start3A_706 = tpu.memref_slice %arg5[%select_n3A_682, %mul3A_700] : memref<50x512xi32, #tpu.memory_space<vmem>> -> memref<1x128xi32, #tpu.memory_space<vmem>>
        %dma_start3A_707 = tpu.memref_squeeze %dma_start3A_706 : memref<1x128xi32, #tpu.memory_space<vmem>> -> memref<128xi32, #tpu.memory_space<vmem>>
        %dma_start3A_708 = arith.constant 0 : i32
        %dma_start3A_709 = arith.constant 0 : i32
        %dma_start3A_710 = tpu.memref_slice %arg3[%dma_start3A_708, %dma_start3A_709] : memref<1024000x64xf32, #tpu.memory_space<hbm>> -> memref<1024000x64xf32, #tpu.memory_space<hbm>>
        tpu.enqueue_indirect_dma source(%dma_start3A_710 : memref<1024000x64xf32, #tpu.memory_space<hbm>>) target(%dma_start3A_705 : memref<128x64xf32, #tpu.memory_space<vmem>>) offsets(%dma_start3A_707 : memref<128xi32, #tpu.memory_space<vmem>>) semaphore(%arg7 : memref<!tpu.dma_semaphore, #tpu.memory_space<semaphore_mem>>)
      } else {
      }
      %scan3A_658 = arith.constant 0 : i32
      scf.yield %scan3A_658 : i32
    }
    %scan3A_137 = arith.constant 25 : i32
    return
  }
}

module attributes {stable_mosaic.version = 14 : i64} {
  func.func @_pack_body(%arg0: i32, %arg1: memref<64x25600xf32, #tpu.memory_space<vmem>>, %arg2: memref<64x64xf32, #tpu.memory_space<vmem>>, %arg3: memref<12800x128xf32, #tpu.memory_space<vmem>>) attributes {dimension_semantics = [#tpu.dimension_semantics<arbitrary>], iteration_bounds = array<i64: 40>, scalar_prefetch = 0 : i64, scratch_operands = 0 : i64, tpu.core_type = #tpu.core_type<tc>, window_params = [{transform_indices = @transform_0, window_bounds = array<i64: 64, 25600>}, {pipeline_mode = #tpu.pipeline_mode<synchronous>, transform_indices = @transform_1, window_bounds = array<i64: 64, 64>}, {transform_indices = @transform_2, window_bounds = array<i64: 12800, 128>}]} {
    %get3A = arith.constant 0 : index
    %get3A_0 = arith.constant 0 : index
    %get3A_1 = vector.load %arg2[%get3A, %get3A_0] : memref<64x64xf32, #tpu.memory_space<vmem>>, vector<64x64xf32>
    %get3A_2 = arith.constant 0 : index
    %get3A_3 = arith.constant 0 : index
    %get3A_4 = vector.load %arg1[%get3A_2, %get3A_3] : memref<64x25600xf32, #tpu.memory_space<vmem>>, vector<64x12800xf32>
    %dot_general3A = arith.constant dense<0.000000e+00> : vector<12800x64xf32>
    %dot_general3A_5 = tpu.matmul %get3A_4, %get3A_1, %dot_general3A {dimension_numbers = #tpu.dot_dimension_numbers<[0], [0], [1], [1], [0, 1, 1, 1], [], []>, transpose_lhs_hint = false} : vector<64x12800xf32>, vector<64x64xf32>, vector<12800x64xf32> -> vector<12800x64xf32>
    %get3A_6 = arith.constant 0 : index
    %get3A_7 = arith.constant 12800 : index
    %get3A_8 = vector.load %arg1[%get3A_6, %get3A_7] : memref<64x25600xf32, #tpu.memory_space<vmem>>, vector<64x12800xf32>
    %dot_general3A_9 = arith.constant dense<0.000000e+00> : vector<12800x64xf32>
    %dot_general3A_10 = tpu.matmul %get3A_8, %get3A_1, %dot_general3A_9 {dimension_numbers = #tpu.dot_dimension_numbers<[0], [0], [1], [1], [0, 1, 1, 1], [], []>, transpose_lhs_hint = false} : vector<64x12800xf32>, vector<64x64xf32>, vector<12800x64xf32> -> vector<12800x64xf32>
    %swap3A = arith.constant 0 : index
    %swap3A_11 = arith.constant 0 : index
    %swap3A_12 = vector.load %arg3[%swap3A, %swap3A_11] : memref<12800x128xf32, #tpu.memory_space<vmem>>, vector<12800x64xf32>
    tpu.vector_store %arg3[%swap3A, %swap3A_11], %dot_general3A_5 {strides = array<i32>} : memref<12800x128xf32, #tpu.memory_space<vmem>>, vector<12800x64xf32>,
    %swap3A_13 = arith.constant 0 : index
    %swap3A_14 = arith.constant 64 : index
    %swap3A_15 = vector.load %arg3[%swap3A_13, %swap3A_14] : memref<12800x128xf32, #tpu.memory_space<vmem>>, vector<12800x64xf32>
    tpu.vector_store %arg3[%swap3A_13, %swap3A_14], %dot_general3A_10 {strides = array<i32>} : memref<12800x128xf32, #tpu.memory_space<vmem>>, vector<12800x64xf32>,
    return
  }
  func.func @transform_0(%arg0: i32) -> (i32, i32) {
    %c0_i32 = arith.constant 0 : i32
    %c0_i32_0 = arith.constant 0 : i32
    return %c0_i32, %arg0 : i32, i32
  }
  func.func @transform_1(%arg0: i32) -> (i32, i32) {
    %c0_i32 = arith.constant 0 : i32
    %c0_i32_0 = arith.constant 0 : i32
    %c0_i32_1 = arith.constant 0 : i32
    return %c0_i32, %c0_i32_0 : i32, i32
  }
  func.func @transform_2(%arg0: i32) -> (i32, i32) {
    %c0_i32 = arith.constant 0 : i32
    %c0_i32_0 = arith.constant 0 : i32
    return %arg0, %c0_i32 : i32, i32
  }
}

module attributes {stable_mosaic.version = 14 : i64} {
  func.func @_proj_body(%arg0: i32, %arg1: i32, %arg2: memref<1x4096x128xf32, #tpu.memory_space<vmem>>, %arg3: memref<64x64xf32, #tpu.memory_space<vmem>>, %arg4: memref<64x1xf32, #tpu.memory_space<vmem>>, %arg5: memref<1x64x8192xf32, #tpu.memory_space<vmem>>) attributes {dimension_semantics = [#tpu.dimension_semantics<arbitrary>, #tpu.dimension_semantics<arbitrary>], iteration_bounds = array<i64: 50, 2>, scalar_prefetch = 0 : i64, scratch_operands = 0 : i64, tpu.core_type = #tpu.core_type<tc>, window_params = [{transform_indices = @transform_0, window_bounds = array<i64: 1, 4096, 128>}, {pipeline_mode = #tpu.pipeline_mode<synchronous>, transform_indices = @transform_1, window_bounds = array<i64: 64, 64>}, {pipeline_mode = #tpu.pipeline_mode<synchronous>, transform_indices = @transform_2, window_bounds = array<i64: 64, 1>}, {transform_indices = @transform_3, window_bounds = array<i64: 1, 64, 8192>}]} {
    %get3A = arith.constant 0 : index
    %get3A_0 = arith.constant 0 : index
    %get3A_1 = arith.constant 0 : index
    %get3A_2 = vector.load %arg2[%get3A, %get3A_0, %get3A_1] : memref<1x4096x128xf32, #tpu.memory_space<vmem>>, vector<1x4096x128xf32>
    %get3A_3 = vector.shape_cast %get3A_2 : vector<1x4096x128xf32> to vector<4096x128xf32>
    %get3A_4 = arith.constant 0 : index
    %get3A_5 = arith.constant 0 : index
    %get3A_6 = vector.load %arg3[%get3A_4, %get3A_5] : memref<64x64xf32, #tpu.memory_space<vmem>>, vector<64x64xf32>
    %get3A_7 = arith.constant 0 : index
    %get3A_8 = arith.constant 0 : index
    %get3A_9 = vector.load %arg4[%get3A_7, %get3A_8] : memref<64x1xf32, #tpu.memory_space<vmem>>, vector<64x1xf32>
    %slice3A = vector.extract_strided_slice %get3A_3 {offsets = [0, 0], sizes = [4096, 64], strides = [1, 1]} : vector<4096x128xf32> to vector<4096x64xf32>
    %dot_general3A = arith.constant dense<0.000000e+00> : vector<64x4096xf32>
    %dot_general3A_10 = tpu.matmul %get3A_6, %slice3A, %dot_general3A {dimension_numbers = #tpu.dot_dimension_numbers<[1], [1], [0], [0], [0, 0, 1, 0], [], []>, transpose_lhs_hint = false} : vector<64x64xf32>, vector<4096x64xf32>, vector<64x4096xf32> -> vector<64x4096xf32>
    %add3A = vector.broadcast %get3A_9 : vector<64x1xf32> to vector<64x4096xf32>
    %add3A_11 = arith.addf %dot_general3A_10, %add3A : vector<64x4096xf32>
    %slice3A_12 = vector.extract_strided_slice %get3A_3 {offsets = [0, 64], sizes = [4096, 64], strides = [1, 1]} : vector<4096x128xf32> to vector<4096x64xf32>
    %dot_general3A_13 = arith.constant dense<0.000000e+00> : vector<64x4096xf32>
    %dot_general3A_14 = tpu.matmul %get3A_6, %slice3A_12, %dot_general3A_13 {dimension_numbers = #tpu.dot_dimension_numbers<[1], [1], [0], [0], [0, 0, 1, 0], [], []>, transpose_lhs_hint = false} : vector<64x64xf32>, vector<4096x64xf32>, vector<64x4096xf32> -> vector<64x4096xf32>
    %add3A_15 = vector.broadcast %get3A_9 : vector<64x1xf32> to vector<64x4096xf32>
    %add3A_16 = arith.addf %dot_general3A_14, %add3A_15 : vector<64x4096xf32>
    %slice3A_17 = vector.extract_strided_slice %add3A_11 {offsets = [0, 0], sizes = [64, 512], strides = [1, 1]} : vector<64x4096xf32> to vector<64x512xf32>
    %swap3A = arith.constant 0 : index
    %swap3A_18 = arith.constant 0 : index
    %swap3A_19 = arith.constant 0 : index
    %swap3A_20 = vector.load %arg5[%swap3A, %swap3A_18, %swap3A_19] : memref<1x64x8192xf32, #tpu.memory_space<vmem>>, vector<1x64x512xf32>
    %swap3A_21 = vector.shape_cast %swap3A_20 : vector<1x64x512xf32> to vector<64x512xf32>
    %swap3A_22 = vector.shape_cast %slice3A_17 : vector<64x512xf32> to vector<1x64x512xf32>
    tpu.vector_store %arg5[%swap3A, %swap3A_18, %swap3A_19], %swap3A_22 {strides = array<i32>} : memref<1x64x8192xf32, #tpu.memory_space<vmem>>, vector<1x64x512xf32>,
    %slice3A_23 = vector.extract_strided_slice %add3A_16 {offsets = [0, 0], sizes = [64, 512], strides = [1, 1]} : vector<64x4096xf32> to vector<64x512xf32>
    %swap3A_24 = arith.constant 0 : index
    %swap3A_25 = arith.constant 0 : index
    %swap3A_26 = arith.constant 512 : index
    %swap3A_27 = vector.load %arg5[%swap3A_24, %swap3A_25, %swap3A_26] : memref<1x64x8192xf32, #tpu.memory_space<vmem>>, vector<1x64x512xf32>
    %swap3A_28 = vector.shape_cast %swap3A_27 : vector<1x64x512xf32> to vector<64x512xf32>
    %swap3A_29 = vector.shape_cast %slice3A_23 : vector<64x512xf32> to vector<1x64x512xf32>
    tpu.vector_store %arg5[%swap3A_24, %swap3A_25, %swap3A_26], %swap3A_29 {strides = array<i32>} : memref<1x64x8192xf32, #tpu.memory_space<vmem>>, vector<1x64x512xf32>,
    %slice3A_30 = vector.extract_strided_slice %add3A_11 {offsets = [0, 512], sizes = [64, 512], strides = [1, 1]} : vector<64x4096xf32> to vector<64x512xf32>
    %swap3A_31 = arith.constant 0 : index
    %swap3A_32 = arith.constant 0 : index
    %swap3A_33 = arith.constant 1024 : index
    %swap3A_34 = vector.load %arg5[%swap3A_31, %swap3A_32, %swap3A_33] : memref<1x64x8192xf32, #tpu.memory_space<vmem>>, vector<1x64x512xf32>
    %swap3A_35 = vector.shape_cast %swap3A_34 : vector<1x64x512xf32> to vector<64x512xf32>
    %swap3A_36 = vector.shape_cast %slice3A_30 : vector<64x512xf32> to vector<1x64x512xf32>
    tpu.vector_store %arg5[%swap3A_31, %swap3A_32, %swap3A_33], %swap3A_36 {strides = array<i32>} : memref<1x64x8192xf32, #tpu.memory_space<vmem>>, vector<1x64x512xf32>,
    %slice3A_37 = vector.extract_strided_slice %add3A_16 {offsets = [0, 512], sizes = [64, 512], strides = [1, 1]} : vector<64x4096xf32> to vector<64x512xf32>
    %swap3A_38 = arith.constant 0 : index
    %swap3A_39 = arith.constant 0 : index
    %swap3A_40 = arith.constant 1536 : index
    %swap3A_41 = vector.load %arg5[%swap3A_38, %swap3A_39, %swap3A_40] : memref<1x64x8192xf32, #tpu.memory_space<vmem>>, vector<1x64x512xf32>
    %swap3A_42 = vector.shape_cast %swap3A_41 : vector<1x64x512xf32> to vector<64x512xf32>
    %swap3A_43 = vector.shape_cast %slice3A_37 : vector<64x512xf32> to vector<1x64x512xf32>
    tpu.vector_store %arg5[%swap3A_38, %swap3A_39, %swap3A_40], %swap3A_43 {strides = array<i32>} : memref<1x64x8192xf32, #tpu.memory_space<vmem>>, vector<1x64x512xf32>,
    %slice3A_44 = vector.extract_strided_slice %add3A_11 {offsets = [0, 1024], sizes = [64, 512], strides = [1, 1]} : vector<64x4096xf32> to vector<64x512xf32>
    %swap3A_45 = arith.constant 0 : index
    %swap3A_46 = arith.constant 0 : index
    %swap3A_47 = arith.constant 2048 : index
    %swap3A_48 = vector.load %arg5[%swap3A_45, %swap3A_46, %swap3A_47] : memref<1x64x8192xf32, #tpu.memory_space<vmem>>, vector<1x64x512xf32>
    %swap3A_49 = vector.shape_cast %swap3A_48 : vector<1x64x512xf32> to vector<64x512xf32>
    %swap3A_50 = vector.shape_cast %slice3A_44 : vector<64x512xf32> to vector<1x64x512xf32>
    tpu.vector_store %arg5[%swap3A_45, %swap3A_46, %swap3A_47], %swap3A_50 {strides = array<i32>} : memref<1x64x8192xf32, #tpu.memory_space<vmem>>, vector<1x64x512xf32>,
    %slice3A_51 = vector.extract_strided_slice %add3A_16 {offsets = [0, 1024], sizes = [64, 512], strides = [1, 1]} : vector<64x4096xf32> to vector<64x512xf32>
    %swap3A_52 = arith.constant 0 : index
    %swap3A_53 = arith.constant 0 : index
    %swap3A_54 = arith.constant 2560 : index
    %swap3A_55 = vector.load %arg5[%swap3A_52, %swap3A_53, %swap3A_54] : memref<1x64x8192xf32, #tpu.memory_space<vmem>>, vector<1x64x512xf32>
    %swap3A_56 = vector.shape_cast %swap3A_55 : vector<1x64x512xf32> to vector<64x512xf32>
    %swap3A_57 = vector.shape_cast %slice3A_51 : vector<64x512xf32> to vector<1x64x512xf32>
    tpu.vector_store %arg5[%swap3A_52, %swap3A_53, %swap3A_54], %swap3A_57 {strides = array<i32>} : memref<1x64x8192xf32, #tpu.memory_space<vmem>>, vector<1x64x512xf32>,
    %slice3A_58 = vector.extract_strided_slice %add3A_11 {offsets = [0, 1536], sizes = [64, 512], strides = [1, 1]} : vector<64x4096xf32> to vector<64x512xf32>
    %swap3A_59 = arith.constant 0 : index
    %swap3A_60 = arith.constant 0 : index
    %swap3A_61 = arith.constant 3072 : index
    %swap3A_62 = vector.load %arg5[%swap3A_59, %swap3A_60, %swap3A_61] : memref<1x64x8192xf32, #tpu.memory_space<vmem>>, vector<1x64x512xf32>
    %swap3A_63 = vector.shape_cast %swap3A_62 : vector<1x64x512xf32> to vector<64x512xf32>
    %swap3A_64 = vector.shape_cast %slice3A_58 : vector<64x512xf32> to vector<1x64x512xf32>
    tpu.vector_store %arg5[%swap3A_59, %swap3A_60, %swap3A_61], %swap3A_64 {strides = array<i32>} : memref<1x64x8192xf32, #tpu.memory_space<vmem>>, vector<1x64x512xf32>,
    %slice3A_65 = vector.extract_strided_slice %add3A_16 {offsets = [0, 1536], sizes = [64, 512], strides = [1, 1]} : vector<64x4096xf32> to vector<64x512xf32>
    %swap3A_66 = arith.constant 0 : index
    %swap3A_67 = arith.constant 0 : index
    %swap3A_68 = arith.constant 3584 : index
    %swap3A_69 = vector.load %arg5[%swap3A_66, %swap3A_67, %swap3A_68] : memref<1x64x8192xf32, #tpu.memory_space<vmem>>, vector<1x64x512xf32>
    %swap3A_70 = vector.shape_cast %swap3A_69 : vector<1x64x512xf32> to vector<64x512xf32>
    %swap3A_71 = vector.shape_cast %slice3A_65 : vector<64x512xf32> to vector<1x64x512xf32>
    tpu.vector_store %arg5[%swap3A_66, %swap3A_67, %swap3A_68], %swap3A_71 {strides = array<i32>} : memref<1x64x8192xf32, #tpu.memory_space<vmem>>, vector<1x64x512xf32>,
    %slice3A_72 = vector.extract_strided_slice %add3A_11 {offsets = [0, 2048], sizes = [64, 512], strides = [1, 1]} : vector<64x4096xf32> to vector<64x512xf32>
    %swap3A_73 = arith.constant 0 : index
    %swap3A_74 = arith.constant 0 : index
    %swap3A_75 = arith.constant 4096 : index
    %swap3A_76 = vector.load %arg5[%swap3A_73, %swap3A_74, %swap3A_75] : memref<1x64x8192xf32, #tpu.memory_space<vmem>>, vector<1x64x512xf32>
    %swap3A_77 = vector.shape_cast %swap3A_76 : vector<1x64x512xf32> to vector<64x512xf32>
    %swap3A_78 = vector.shape_cast %slice3A_72 : vector<64x512xf32> to vector<1x64x512xf32>
    tpu.vector_store %arg5[%swap3A_73, %swap3A_74, %swap3A_75], %swap3A_78 {strides = array<i32>} : memref<1x64x8192xf32, #tpu.memory_space<vmem>>, vector<1x64x512xf32>,
    %slice3A_79 = vector.extract_strided_slice %add3A_16 {offsets = [0, 2048], sizes = [64, 512], strides = [1, 1]} : vector<64x4096xf32> to vector<64x512xf32>
    %swap3A_80 = arith.constant 0 : index
    %swap3A_81 = arith.constant 0 : index
    %swap3A_82 = arith.constant 4608 : index
    %swap3A_83 = vector.load %arg5[%swap3A_80, %swap3A_81, %swap3A_82] : memref<1x64x8192xf32, #tpu.memory_space<vmem>>, vector<1x64x512xf32>
    %swap3A_84 = vector.shape_cast %swap3A_83 : vector<1x64x512xf32> to vector<64x512xf32>
    %swap3A_85 = vector.shape_cast %slice3A_79 : vector<64x512xf32> to vector<1x64x512xf32>
    tpu.vector_store %arg5[%swap3A_80, %swap3A_81, %swap3A_82], %swap3A_85 {strides = array<i32>} : memref<1x64x8192xf32, #tpu.memory_space<vmem>>, vector<1x64x512xf32>,
    %slice3A_86 = vector.extract_strided_slice %add3A_11 {offsets = [0, 2560], sizes = [64, 512], strides = [1, 1]} : vector<64x4096xf32> to vector<64x512xf32>
    %swap3A_87 = arith.constant 0 : index
    %swap3A_88 = arith.constant 0 : index
    %swap3A_89 = arith.constant 5120 : index
    %swap3A_90 = vector.load %arg5[%swap3A_87, %swap3A_88, %swap3A_89] : memref<1x64x8192xf32, #tpu.memory_space<vmem>>, vector<1x64x512xf32>
    %swap3A_91 = vector.shape_cast %swap3A_90 : vector<1x64x512xf32> to vector<64x512xf32>
    %swap3A_92 = vector.shape_cast %slice3A_86 : vector<64x512xf32> to vector<1x64x512xf32>
    tpu.vector_store %arg5[%swap3A_87, %swap3A_88, %swap3A_89], %swap3A_92 {strides = array<i32>} : memref<1x64x8192xf32, #tpu.memory_space<vmem>>, vector<1x64x512xf32>,
    %slice3A_93 = vector.extract_strided_slice %add3A_16 {offsets = [0, 2560], sizes = [64, 512], strides = [1, 1]} : vector<64x4096xf32> to vector<64x512xf32>
    %swap3A_94 = arith.constant 0 : index
    %swap3A_95 = arith.constant 0 : index
    %swap3A_96 = arith.constant 5632 : index
    %swap3A_97 = vector.load %arg5[%swap3A_94, %swap3A_95, %swap3A_96] : memref<1x64x8192xf32, #tpu.memory_space<vmem>>, vector<1x64x512xf32>
    %swap3A_98 = vector.shape_cast %swap3A_97 : vector<1x64x512xf32> to vector<64x512xf32>
    %swap3A_99 = vector.shape_cast %slice3A_93 : vector<64x512xf32> to vector<1x64x512xf32>
    tpu.vector_store %arg5[%swap3A_94, %swap3A_95, %swap3A_96], %swap3A_99 {strides = array<i32>} : memref<1x64x8192xf32, #tpu.memory_space<vmem>>, vector<1x64x512xf32>,
    %slice3A_100 = vector.extract_strided_slice %add3A_11 {offsets = [0, 3072], sizes = [64, 512], strides = [1, 1]} : vector<64x4096xf32> to vector<64x512xf32>
    %swap3A_101 = arith.constant 0 : index
    %swap3A_102 = arith.constant 0 : index
    %swap3A_103 = arith.constant 6144 : index
    %swap3A_104 = vector.load %arg5[%swap3A_101, %swap3A_102, %swap3A_103] : memref<1x64x8192xf32, #tpu.memory_space<vmem>>, vector<1x64x512xf32>
    %swap3A_105 = vector.shape_cast %swap3A_104 : vector<1x64x512xf32> to vector<64x512xf32>
    %swap3A_106 = vector.shape_cast %slice3A_100 : vector<64x512xf32> to vector<1x64x512xf32>
    tpu.vector_store %arg5[%swap3A_101, %swap3A_102, %swap3A_103], %swap3A_106 {strides = array<i32>} : memref<1x64x8192xf32, #tpu.memory_space<vmem>>, vector<1x64x512xf32>,
    %slice3A_107 = vector.extract_strided_slice %add3A_16 {offsets = [0, 3072], sizes = [64, 512], strides = [1, 1]} : vector<64x4096xf32> to vector<64x512xf32>
    %swap3A_108 = arith.constant 0 : index
    %swap3A_109 = arith.constant 0 : index
    %swap3A_110 = arith.constant 6656 : index
    %swap3A_111 = vector.load %arg5[%swap3A_108, %swap3A_109, %swap3A_110] : memref<1x64x8192xf32, #tpu.memory_space<vmem>>, vector<1x64x512xf32>
    %swap3A_112 = vector.shape_cast %swap3A_111 : vector<1x64x512xf32> to vector<64x512xf32>
    %swap3A_113 = vector.shape_cast %slice3A_107 : vector<64x512xf32> to vector<1x64x512xf32>
    tpu.vector_store %arg5[%swap3A_108, %swap3A_109, %swap3A_110], %swap3A_113 {strides = array<i32>} : memref<1x64x8192xf32, #tpu.memory_space<vmem>>, vector<1x64x512xf32>,
    %slice3A_114 = vector.extract_strided_slice %add3A_11 {offsets = [0, 3584], sizes = [64, 512], strides = [1, 1]} : vector<64x4096xf32> to vector<64x512xf32>
    %swap3A_115 = arith.constant 0 : index
    %swap3A_116 = arith.constant 0 : index
    %swap3A_117 = arith.constant 7168 : index
    %swap3A_118 = vector.load %arg5[%swap3A_115, %swap3A_116, %swap3A_117] : memref<1x64x8192xf32, #tpu.memory_space<vmem>>, vector<1x64x512xf32>
    %swap3A_119 = vector.shape_cast %swap3A_118 : vector<1x64x512xf32> to vector<64x512xf32>
    %swap3A_120 = vector.shape_cast %slice3A_114 : vector<64x512xf32> to vector<1x64x512xf32>
    tpu.vector_store %arg5[%swap3A_115, %swap3A_116, %swap3A_117], %swap3A_120 {strides = array<i32>} : memref<1x64x8192xf32, #tpu.memory_space<vmem>>, vector<1x64x512xf32>,
    %slice3A_121 = vector.extract_strided_slice %add3A_16 {offsets = [0, 3584], sizes = [64, 512], strides = [1, 1]} : vector<64x4096xf32> to vector<64x512xf32>
    %swap3A_122 = arith.constant 0 : index
    %swap3A_123 = arith.constant 0 : index
    %swap3A_124 = arith.constant 7680 : index
    %swap3A_125 = vector.load %arg5[%swap3A_122, %swap3A_123, %swap3A_124] : memref<1x64x8192xf32, #tpu.memory_space<vmem>>, vector<1x64x512xf32>
    %swap3A_126 = vector.shape_cast %swap3A_125 : vector<1x64x512xf32> to vector<64x512xf32>
    %swap3A_127 = vector.shape_cast %slice3A_121 : vector<64x512xf32> to vector<1x64x512xf32>
    tpu.vector_store %arg5[%swap3A_122, %swap3A_123, %swap3A_124], %swap3A_127 {strides = array<i32>} : memref<1x64x8192xf32, #tpu.memory_space<vmem>>, vector<1x64x512xf32>,
    return
  }
  func.func @transform_0(%arg0: i32, %arg1: i32) -> (i32, i32, i32) {
    %c0_i32 = arith.constant 0 : i32
    %c0_i32_0 = arith.constant 0 : i32
    return %arg0, %arg1, %c0_i32 : i32, i32, i32
  }
  func.func @transform_1(%arg0: i32, %arg1: i32) -> (i32, i32) {
    %c0_i32 = arith.constant 0 : i32
    %c0_i32_0 = arith.constant 0 : i32
    %c0_i32_1 = arith.constant 0 : i32
    return %c0_i32, %c0_i32_0 : i32, i32
  }
  func.func @transform_2(%arg0: i32, %arg1: i32) -> (i32, i32) {
    %c0_i32 = arith.constant 0 : i32
    %c0_i32_0 = arith.constant 0 : i32
    %c0_i32_1 = arith.constant 0 : i32
    return %c0_i32, %c0_i32_0 : i32, i32
  }
  func.func @transform_3(%arg0: i32, %arg1: i32) -> (i32, i32, i32) {
    %c0_i32 = arith.constant 0 : i32
    %c0_i32_0 = arith.constant 0 : i32
    return %arg0, %c0_i32, %arg1 : i32, i32, i32
  }
}

</mosaic_0001>

<sc_bundles>
// kernel: kernel.5.cloned.1.call-start
scs
__scs_entry_jumppad:
0x0: {  	(pc) =	sbr.rel $0x88, $3  }
0x1: {  	(tag) =	ssettag $0x0;
	lr =	simm.s32 $0x1  }
0x2: {  	[smem:$0x3F9D] =	sst lr;
	_ =	strace $0xD0000000  }
0x3: {  	_ = 	snop  }
0x4: {  	_ = 	snop  }
0x5: {  	_ = 	snop  }
0x6: {  	_ = 	snop  }
0x7: {  	_ = 	snop  }
__scs_overlays_trampoline_lowered:
0x8: {  	[smem:$0x3FAC] =	sst s0  }
0x9: {  	[smem:$0x3FAD] =	sst s1  }
0xa: {  	[smem:$0x3FAE] =	sst s2  }
0xb: {  	[smem:$0x3FAF] =	sst s3  }
0xc: {  	[smem:$0x3FB0] =	sst s4  }
0xd: {  	[smem:$0x3FB1] =	sst s5  }
0xe: {  	[smem:$0x3FB2] =	sst s6  }
0xf: {  	[smem:$0x3FB3] =	sst s7  }
0x10: {  	[smem:$0x3FB4] =	sst s8  }
0x11: {  	[smem:$0x3FB5] =	sst s9;
	s0 =	simm.s32 @!p0 $0x0  }
0x12: {  	s1 =	sld [smem:$0x3F9B];
	s0 =	simm.s32 @p0 $0x1  }
0x13: {  	[smem:$0x3FB6] =	sst s0;
	s0 =	simm.s32 @!p1 $0x0  }
0x14: {  	s2 =	sld [smem:$0x3F9A];
	s0 =	simm.s32 @p1 $0x1  }
0x15: {  	[smem:$0x3FB7] =	sst s0;
	s0 =	simm.s32 @!p2 $0x0  }
0x16: {  	s3 =	sld [smem:$0x3FDB];
	s0 =	simm.s32 @p2 $0x1  }
0x17: {  	s4 =	simm.s32 $0x1BF5;
	[smem:$0x3FB9] =	sst s0  }
0x18: {  	s0 =	sld [smem:$0x3F9C];
	_ =	swait.ge [sflag:s4], $0x0  }
0x19: {  	s7 =	sld [smem:$0x3F9D]  }
0x1a: {  	s8 =	sadd.s32 $0xFFFFE003, lr  }
0x1b: {  	s9 =	sadd.s32 $0xFFFFFEF7, lr;
	s5 =	simm.s32 $0xFFFFFFFF;
	p2 =	slt.u32 s8, $0xFFFFF086  }
0x1c: {  	p1 =	slt.u32 s9, $0xF7A;
	s5 =	simm.s32 @!p2 $0x0  }
0x1d: {  	s5 =	simm.s32 @p1 $0x1;
	p0 =	seq.s32 s7, s2  }
0x1e: {  	s7 =	smul.u32 @!p0 $0xF7A, s2;
	p2 =	seq.s32 @!p0 s5, $0x0  }
0x1f: {  	s9 =	smul.u32 $0xF7A, s1;
	s8 =	simm.s32 @!p0 $0x1BF5;
	p2 =	por !p2, p0  }
0x20: {  	[sflag:s8] =	ssyncset.s32 @!p0 $0xFFFFF086;
	s6 =	sadd.s32 @!p0 s3, s7;
	s7 =	simm.s32 @!p0 $0x108  }
0x21: {  	s3 =	sadd.s32 s3, s9;
	s6 =	sadd.s32 @!p0 $0x88, s6;
	s7 =	simm.s32 @p2 $0x1082  }
0x22: {  	[simem:s7], [sflag:s8] =	dma.local @!p0 [hbm:s6], $0xF7A  }
0x23: {  	s9 =	sor.u32 $0xD0000000, s2;
	s6 =	simm.s32 $0x108;
	_ =	swait.ge @!p0 [sflag:s8], $0x0  }
0x24: {  	s3 =	sadd.s32 $0x88, s3;
	s6 =	simm.s32 @!p1 $0x1082;
	[sflag:s4] =	ssyncset.s32 $0xFFFFF086  }
0x25: {  	[simem:s6], [sflag:s4] =	dma.local [hbm:s3], $0xF7A  }
0x26: {  	[smem:$0x3F9D] =	sst s1;
	(tag) =	ssettag s2;
	_ =	strace s9  }
0x27: {  	s1 =	sld [smem:$0x3FAD]  }
0x28: {  	s2 =	sld [smem:$0x3FAE]  }
0x29: {  	s4 =	sld [smem:$0x3FB0]  }
0x2a: {  	p0 =	seq.s32 s5, $0x0;
	s5 =	sld [smem:$0x3FB1]  }
0x2b: {  	s6 =	sld [smem:$0x3FB2]  }
0x2c: {  	s7 =	sld [smem:$0x3FB3]  }
0x2d: {  	s3 =	simm.s32 $0x108;
	s8 =	sld [smem:$0x3FB4]  }
0x2e: {  	s3 =	simm.s32 @!p0 $0x1082;
	s9 =	sld [smem:$0x3FB5]  }
0x2f: {  	lr =	sadd.s32 s0, s3;
	s0 =	sld [smem:$0x3FAC]  }
0x30: {  	s3 =	sld [smem:$0x3FAF]  }
0x31: {  	[smem:$0x3FB8] =	sst s10  }
0x32: {  	s10 =	sld [smem:$0x3FB6];
	_ =	sdelay $0x3  }
0x33: {  	p0 =	seq.s32 s10, $0x1;
	s10 =	sld [smem:$0x3FB8];
	_ =	sdelay $0x3  }
0x34: {  	[smem:$0x3FB8] =	sst s10  }
0x35: {  	s10 =	sld [smem:$0x3FB7];
	_ =	sdelay $0x3  }
0x36: {  	p1 =	seq.s32 s10, $0x1;
	s10 =	sld [smem:$0x3FB8];
	_ =	sdelay $0x3  }
0x37: {  	[smem:$0x3FB8] =	sst s10  }
0x38: {  	s10 =	sld [smem:$0x3FB9]  }
0x39: {  	_ = 	snop;
	(pc) =	sbr.ind lr, $3  }
0x3a: {  	_ = 	snop  }
0x3b: {  	_ = 	snop  }
0x3c: {  	p2 =	seq.s32 s10, $0x1;
	s10 =	sld [smem:$0x3FB8]  }
0x3d: {  	_ =	shalt  }
0x3e: {  	_ =	shalt  }
0x3f: {  	_ =	shalt  }
0x40: {  	_ =	shalt  }
0x41: {  	_ =	shalt  }
0x42: {  	_ =	shalt  }
0x43: {  	_ =	shalt  }
0x44: {  	_ =	shalt  }
0x45: {  	_ =	shalt  }
0x46: {  	_ =	shalt  }
0x47: {  	_ =	shalt  }
0x48: {  	_ =	shalt  }
0x49: {  	_ =	shalt  }
0x4a: {  	_ =	shalt  }
0x4b: {  	_ =	shalt  }
0x4c: {  	_ =	shalt  }
0x4d: {  	_ =	shalt  }
0x4e: {  	_ =	shalt  }
0x4f: {  	_ =	shalt  }
0x50: {  	_ =	shalt  }
0x51: {  	_ =	shalt  }
0x52: {  	_ =	shalt  }
0x53: {  	_ =	shalt  }
0x54: {  	_ =	shalt  }
0x55: {  	_ =	shalt  }
0x56: {  	_ =	shalt  }
0x57: {  	_ =	shalt  }
0x58: {  	_ =	shalt  }
0x59: {  	_ =	shalt  }
0x5a: {  	_ =	shalt  }
0x5b: {  	_ =	shalt  }
0x5c: {  	_ =	shalt  }
0x5d: {  	_ =	shalt  }
0x5e: {  	_ =	shalt  }
0x5f: {  	_ =	shalt  }
0x60: {  	_ =	shalt  }
0x61: {  	_ =	shalt  }
0x62: {  	_ =	shalt  }
0x63: {  	_ =	shalt  }
0x64: {  	_ =	shalt  }
0x65: {  	_ =	shalt  }
0x66: {  	_ =	shalt  }
0x67: {  	_ =	shalt  }
0x68: {  	_ =	shalt  }
0x69: {  	_ =	shalt  }
0x6a: {  	_ =	shalt  }
0x6b: {  	_ =	shalt  }
0x6c: {  	_ =	shalt  }
0x6d: {  	_ =	shalt  }
0x6e: {  	_ =	shalt  }
0x6f: {  	_ =	shalt  }
0x70: {  	_ =	shalt  }
0x71: {  	_ =	shalt  }
0x72: {  	_ =	shalt  }
0x73: {  	_ =	shalt  }
0x74: {  	_ =	shalt  }
0x75: {  	_ =	shalt  }
0x76: {  	_ =	shalt  }
0x77: {  	_ =	shalt  }
0x78: {  	_ =	shalt  }
0x79: {  	_ =	shalt  }
0x7a: {  	_ =	shalt  }
0x7b: {  	_ =	shalt  }
0x7c: {  	_ =	shalt  }
0x7d: {  	_ =	shalt  }
0x7e: {  	_ =	shalt  }
0x7f: {  	_ =	shalt  }
0x80: {  	_ =	shalt  }
0x81: {  	_ =	shalt  }
0x82: {  	_ =	shalt  }
0x83: {  	_ =	shalt  }
0x84: {  	_ =	shalt  }
0x85: {  	_ =	shalt  }
0x86: {  	_ =	shalt  }
0x87: {  	_ =	shalt  }
.Lfunc_end0:
.L_simem_size_0:
called_computation_lowered:
.L_overlay_start_0:
0x88: {  	s2 =	sld [smem:$0x3FD9]  }
0x89: {  	s3 =	sld [smem:$0x3FFE];
	_ =	sdelay $0x1  }
0x8a: {  	s1 =	srdreg.scid  }
0x8b: {  	s0 =	sand.u32 $0x1, s1  }
0x8c: {  	s17 =	sshll.u32 s0, $0xA;
	s2 =	sadd.s32 s3, s2  }
0x8d: {  	s2 =	sadd.s32 s2, s17  }
0x8e: {  	[smem:$0x3FC4] =	sst s2  }
0x8f: {  	_ = 	snop  }
0x90: {  	s2 =	sld [smem:$0x3FD0];
	(tm) =	ssettm $0x1  }
0x91: {  	s18 =	sld [smem:$0x3FFB];
	_ =	sdelay $0x3  }
0x92: {  	_ =	strace s18  }
0x93: {  	s3 =	sld [smem:$0x3FFC];
	_ =	sdelay $0x3  }
0x94: {  	_ =	strace s3  }
0x95: {  	s3 =	sld [smem:$0x3FFD];
	_ =	sdelay $0x3  }
0x96: {  	_ =	strace s3  }
0x97: {  	_ =	strace $0x8FFFFFFF  }
0x98: {  	s19 =	sld [smem:$0x3FDB];
	_ =	sdelay $0x1  }
0x99: {  	s4 =	simm.s32 $_scs_section_size  }
0x9a: {  	s5 =	simm.s32 $_size__tile_overlayer_lowered;
	s6 =	simm.s32 $_tile_overlayer_lowered  }
0x9b: {  	s22 =	simm.s32 $0x1BFF;
	s21 =	sshll.u32 s6, $0x1;
	s3 =	sadd.s32 s4, s19  }
0x9c: {  	s7 =	simm.s32 $0x0;
	s20 =	sshll.u32 s5, $0x1;
	s5 =	sadd.s32 s21, s3  }
0x9d: {  	[timem:s7], [sflag:s22] =	dma.local [hbm:s5], s20  }
0x9e: {  	_ =	swait.ge [sflag:s22], s20  }
0x9f: {  	s4 =	ssub.s32 $0x0, s20;
	[sflag:s22] =	ssyncset.done $0x0  }
0xa0: {  	[sflag:s22] =	ssyncadd.s32 s4;
	_ =	sdelay $0x1  }
0xa1: {  	s23 =	simm.s32 $0x1B8B  }
0xa2: {  	_ =	swait.ge [sflag:s23], $0x1  }
0xa3: {  	[sflag:s23] =	ssyncset.done $0x0  }
0xa4: {  	s25 =	simm.s32 $0x1B8E;
	s24 =	sld [smem:$0x3FFE];
	[sflag:s23] =	ssyncadd.s32 $0xFFFFFFFF  }
0xa5: {  	s26 =	simm.s32 $execute0_lowered;
	[smem:$0x3FD2] =	sst s25  }
0xa6: {  	s5 =	sshll.u32 s26, $0x1;
	_ =	strace $0x80000046;
	[dreg:$0x1] =	wrdreg $0xFFFFFFFF  }
0xa7: {  	s28 =	simm.s32 $_size_execute0_lowered;
	s3 =	sadd.s32 s3, s5;
	[dreg:$0x0] =	wrdreg $0x0  }
0xa8: {  	s5 =	sshll.u32 s28, $0x1;
	[dreg:$0x2] =	wrdreg s3  }
0xa9: {  	[dreg:$0x3] =	wrdreg s5  }
0xaa: {  	[dreg:$0x4] =	wrdreg $0xC0  }
0xab: {  	_ =	task [dreg:s7], $0x5FFFF  }
0xac: {  	[dreg:$0x1] =	wrdreg $0xFFFFFFFF  }
0xad: {  	[dreg:$0x0] =	wrdreg $0x60  }
0xae: {  	[dreg:$0x2] =	wrdreg s2  }
0xaf: {  	[dreg:$0x3] =	wrdreg s24  }
0xb0: {  	[dreg:$0x4] =	wrdreg $0x9  }
0xb1: {  	_ =	task.clear_ibuf [dreg:s7], $0x5FFFF;
	_ =	strace $0x90000046  }
0xb2: {  	s29 =	simm.s32 $0x9;
	_ =	strace $0x80000048  }
0xb3: {  	_ =	swait.ge [sflag:s29], $0x1  }
0xb4: {  	[sflag:s29] =	ssyncadd.s32 $0xFFFFFFFF  }
0xb5: {  	_ =	strace $0x90000048  }
0xb6: {  	_ =	sfence  }
0xb7: {  	s30 =	sld [smem:$0x0];
	_ =	sdelay $0x2  }
0xb8: {  	s31 =	sshll.u32 s1, $0xD;
	s1 =	sshrl.u32 s1, $0x2  }
0xb9: {  	s3 =	sand.u32 $0x4000, s31;
	s1 =	sadd.s32 s1, s30  }
0xba: {  	s0 =	sor.u32 s3, s0;
	s1 =	sshll.u32 s1, $0x11  }
0xbb: {  	s0 =	sor.u32 s1, s0  }
0xbc: {  	s0 =	sadd.s32 $0x8F2B, s0  }
0xbd: {  	[sflag:s0] =	ssyncadd.remote.s32 $0x1  }
0xbe: {  	_ =	sfence.sel $0xFFFF  }
0xbf: {  	[dreg:$0x0] =	wrdreg $0xFFFFFFFF;
	(pc) =	sbr.abs _section_cstart, $3  }
0xc0: {  	[dreg:$0x1] =	wrdreg $0xFFFFFFFF  }
0xc1: {  	_ =	task.clear_ibuf [dreg:s7], $0x2FFFF;
	_ =	strace $0x9FFFFFFF  }
0xc2: {  	(tm) =	ssettm $0x7FFFFFFF  }
0xc3: {  	_ =	shalt  }
tec
execute0_lowered:
.L_overlay_start_1:
0x0: {  	(tag) =	ssettag $0x1  }
0x1: {  	s0 =	srdreg.scid;
	s2 =	rddreg [dreg:$0x0]  }
0x2: {  	s7 =	stileid.u32;
	s4 =	rddreg [dreg:$0x1]  }
0x3: {  	s3 =	simm.s32 $0x0;
	s5 =	simm.s32 $0x1;
	s13 =	simm.s32 $0x200  }
0x4: {  	s15 =	simm.s32 $0x2;
	s16 =	simm.s32 $0x80;
	s17 =	simm.s32 $0x6400  }
0x5: {  	s18 =	simm.s32 $0x8400;
	s28 =	simm.s32 $0x12400;
	s30 =	simm.s32 $0x14400  }
0x6: {  	s31 =	simm.s32 $0x40;
	s0 =	sand.u32 $0x1, s0;
	s1 =	sshll.u32 s7, $0x1  }
0x7: {  	[smem:$0x7FF] =	sst s3;
	s3 =	sadd.s32 $0x800, s4;
	s1 =	sor.u32 s0, s1  }
0x8: {  	s4 =	sadd.s32 $0x7D0800, s4;
	p1 =	seq.s32 s0, $0x1;
	p0 =	seq.s32 s1, $0x0  }
0x9: {  	_ =	strace $0x80000047;
	s6 =	ssub.s32 $0x2, s0;
	p0 =	por !p0, !p1  }
0xa: {  	s0 =	sshll.u32 s0, $0x6;
	s1 =	sshll.u32 s1, $0x6;
	p0 =	por !p0, !p0  }
0xb: {  	s20 =	sshrl.u32 s6, $0x1;
	s1 =	sadd.s32 s2, s1;
	s5 =	simm.s32 @!p0 $0x0  }
0xc: {  	[dreg:$0x3] =	wrdreg s1;
	s5 =	ssub.s32 s7, s5;
	s7 =	ssub.s32 s6, s20  }
0xd: {  	s20 =	simm.s32 $0xA400;
	s5 =	sshll.u32 s5, $0x10;
	s21 =	smax.u32 s7, $0x1  }
0xe: {  	s0 =	sor.u32 s0, s5;
	s5 =	simm.s32 $0x1;
	[dreg:$0x4] =	wrdreg s21  }
0xf: {  	s8 =	sadd.s32 $0x10C000, s0;
	s26 =	sor.u32 $0xC000, s0;
	s23 =	sadd.s32 $0x108000, s0  }
.Ltmp0:
0x10: {  	s25 =	sadd.s32 $0x104000, s0;
	s0 =	sadd.s32 $0x100000, s0;
	(pc) =	sbr.rel .LBB2_1-.Ltmp0, $4  }
0x11: {  	s22 =	sshrl.u32 s8, $0x3;
	s1 =	sshrl.u32 s23, $0x3;
	s29 =	sshrl.u32 s25, $0x3  }
0x12: {  	s0 =	sshrl.u32 s0, $0x3;
	s23 =	simm.s32 $0xE400;
	s25 =	simm.s32 $0x10400  }
0x13: {  	s24 =	sadd.s32 s22, s4;
	s21 =	sadd.s32 s1, s4;
	s19 =	sadd.s32 s29, s4  }
0x14: {  	s14 =	sadd.s32 s0, s4;
	s22 =	simm.s32 $0xC400;
	s1 =	simm.s32 $0x0  }
.LBB2_4:
0x15: {  	s1 =	sadd.s32 $0x1, s1;
	s0 =	rddreg [dreg:$0x4]  }
0x16: {  	p0 =	sne.s32 s1, s0  }
.Ltmp1:
0x17: {  	_ = 	snop;
	(pc) =	sbr.rel @!p0 .LBB2_5-.Ltmp1, $1  }
0x18: {  	_ =	sdelay $0x3  }
.LBB2_1:
0x19: {  	s0 =	simm.s32 $0x0;
	s2 =	rddreg [dreg:$0x3];
	s6 =	simm.s32 $0x4000  }
0x1a: {  	[tilespmem:s0], [sflag:$0x2] =	stream.strided.gather [hbm4b:s2+s13], $0x6400, s6, s13, $0x38;
	[tilespmem:$0x16400] =	vst v63  }
0x1b: {  	_ =	swait.ge [sflag:s15], $0x6400  }
0x1c: {  	[sflag:s15] =	ssyncset.done $0x0  }
0x1d: {  	[sflag:s15] =	ssyncadd.s32 $0xFFFF9C00  }
0x1e: {  	[tilespmem:s17], [sflag:$0x1] =	stream.indirect.gather [hbm4b:s3+s16], $0x40, s0, s16, $0xb8;
	[tilespmem:$0x16400] =	vst v63  }
0x1f: {  	_ = 	snop  }
0x20: {  	[tilespmem:s18], [sflag:$0x1] =	stream.indirect.gather [hbm4b:s3+s16], $0x40, s16, s16, $0xb8;
	[tilespmem:$0x16400] =	vst v63  }
0x21: {  	s9 =	simm.s32 $0x100  }
0x22: {  	[tilespmem:s20], [sflag:$0x1] =	stream.indirect.gather [hbm4b:s3+s16], $0x40, s9, s16, $0xb8;
	[tilespmem:$0x16400] =	vst v63  }
0x23: {  	s10 =	simm.s32 $0x180  }
0x24: {  	[tilespmem:s22], [sflag:$0x1] =	stream.indirect.gather [hbm4b:s3+s16], $0x40, s10, s16, $0xb8;
	[tilespmem:$0x16400] =	vst v63  }
0x25: {  	_ = 	snop  }
0x26: {  	[tilespmem:s23], [sflag:$0x1] =	stream.indirect.gather [hbm4b:s3+s16], $0x40, s13, s16, $0xb8;
	[tilespmem:$0x16400] =	vst v63  }
0x27: {  	s11 =	simm.s32 $0x280;
	s12 =	simm.s32 $0x300;
	s29 =	simm.s32 $0x380  }
0x28: {  	[tilespmem:s25], [sflag:$0x1] =	stream.indirect.gather [hbm4b:s3+s16], $0x40, s11, s16, $0xb8;
	[tilespmem:$0x16400] =	vst v63  }
0x29: {  	s8 =	smov.u32 s26;
	s0 =	simm.s32 $0x0;
	s9 =	smov.u32 s24  }
0x2a: {  	[tilespmem:s28], [sflag:$0x1] =	stream.indirect.gather [hbm4b:s3+s16], $0x40, s12, s16, $0xb8;
	[tilespmem:$0x16400] =	vst v63  }
0x2b: {  	s10 =	smov.u32 s21;
	s11 =	smov.u32 s19;
	s12 =	smov.u32 s14  }
0x2c: {  	[tilespmem:s30], [sflag:$0x1] =	stream.indirect.gather [hbm4b:s3+s16], $0x40, s29, s16, $0xb8;
	[tilespmem:$0x16400] =	vst v63  }
.LBB2_2:
0x2d: {  	_ =	swait.ge [sflag:s5], $0x2000;
	s2 =	sadd.s32 $0xFFFF4000, s8  }
0x2e: {  	[sflag:s5] =	ssyncset.done $0x0;
	s2 =	sshrl.u32 s2, $0x3  }
0x2f: {  	[sflag:s5] =	ssyncadd.s32 $0xFFFFE000;
	s2 =	sadd.s32 s4, s2  }
0x30: {  	[hbm4b:s2+s31] =	stream.strided.scatter [tilespmem:s17], [sflag:$0x2], $0x2000, s16, s31, $0x38;
	[tilespmem:$0x16400] =	vst v63  }
0x31: {  	p0 =	seq.s32 s0, $0x18000;
	_ =	swait.ge [sflag:s15], $0x2000  }
0x32: {  	s29 =	sshra.s32 @!p0 s0, $0x2;
	s7 =	simm.s32 @!p0 $0x6400;
	[sflag:s15] =	ssyncset.done $0x0  }
0x33: {  	s6 =	sadd.s32 @!p0 $0x400, s29;
	s2 =	simm.s32 @!p0 $0x80;
	[sflag:s15] =	ssyncadd.s32 $0xFFFFE000  }
0x34: {  	[tilespmem:s7], [sflag:$0x1] =	stream.indirect.gather @!p0 [hbm4b:s3+s2], $0x40, s6, s2, $0xb8;
	[tilespmem:$0x16400] =	vst v63  }
0x35: {  	s7 =	sadd.s32 $0xFFFF8000, s8;
	_ =	swait.ge [sflag:s5], $0x2000  }
0x36: {  	s6 =	sshrl.u32 s7, $0x3;
	[sflag:s5] =	ssyncset.done $0x0  }
0x37: {  	s6 =	sadd.s32 s4, s6;
	[sflag:s5] =	ssyncadd.s32 $0xFFFFE000  }
0x38: {  	[hbm4b:s6+s31] =	stream.strided.scatter [tilespmem:s18], [sflag:$0x2], $0x2000, s16, s31, $0x38;
	[tilespmem:$0x16400] =	vst v63  }
0x39: {  	_ =	swait.ge [sflag:s15], $0x2000  }
0x3a: {  	[sflag:s15] =	ssyncset.done $0x0  }
0x3b: {  	s7 =	simm.s32 @!p0 $0x8400;
	s6 =	sadd.s32 @!p0 $0x480, s29;
	[sflag:s15] =	ssyncadd.s32 $0xFFFFE000  }
0x3c: {  	[tilespmem:s7], [sflag:$0x1] =	stream.indirect.gather @!p0 [hbm4b:s3+s2], $0x40, s6, s2, $0xb8;
	[tilespmem:$0x16400] =	vst v63  }
0x3d: {  	s7 =	sadd.s32 $0xFFFFC000, s8;
	_ =	swait.ge [sflag:s5], $0x2000  }
0x3e: {  	s6 =	sshrl.u32 s7, $0x3;
	[sflag:s5] =	ssyncset.done $0x0  }
0x3f: {  	s6 =	sadd.s32 s4, s6;
	[sflag:s5] =	ssyncadd.s32 $0xFFFFE000  }
0x40: {  	[hbm4b:s6+s31] =	stream.strided.scatter [tilespmem:s20], [sflag:$0x2], $0x2000, s16, s31, $0x38;
	[tilespmem:$0x16400] =	vst v63  }
0x41: {  	_ =	swait.ge [sflag:s15], $0x2000  }
0x42: {  	[sflag:s15] =	ssyncset.done $0x0  }
0x43: {  	s7 =	simm.s32 @!p0 $0xA400;
	s6 =	sadd.s32 @!p0 $0x500, s29;
	[sflag:s15] =	ssyncadd.s32 $0xFFFFE000  }
0x44: {  	[tilespmem:s7], [sflag:$0x1] =	stream.indirect.gather @!p0 [hbm4b:s3+s2], $0x40, s6, s2, $0xb8;
	[tilespmem:$0x16400] =	vst v63  }
0x45: {  	_ =	swait.ge [sflag:s5], $0x2000  }
0x46: {  	s7 =	sshrl.u32 s8, $0x3;
	[sflag:s5] =	ssyncset.done $0x0  }
0x47: {  	s6 =	sadd.s32 s4, s7;
	[sflag:s5] =	ssyncadd.s32 $0xFFFFE000  }
0x48: {  	[hbm4b:s6+s31] =	stream.strided.scatter [tilespmem:s22], [sflag:$0x2], $0x2000, s16, s31, $0x38;
	[tilespmem:$0x16400] =	vst v63  }
0x49: {  	_ =	swait.ge [sflag:s15], $0x2000  }
0x4a: {  	[sflag:s15] =	ssyncset.done $0x0  }
0x4b: {  	s7 =	simm.s32 @!p0 $0xC400;
	s6 =	sadd.s32 @!p0 $0x580, s29;
	[sflag:s15] =	ssyncadd.s32 $0xFFFFE000  }
0x4c: {  	[tilespmem:s7], [sflag:$0x1] =	stream.indirect.gather @!p0 [hbm4b:s3+s2], $0x40, s6, s2, $0xb8;
	[tilespmem:$0x16400] =	vst v63  }
0x4d: {  	_ =	swait.ge [sflag:s5], $0x2000  }
0x4e: {  	[sflag:s5] =	ssyncset.done $0x0  }
0x4f: {  	[sflag:s5] =	ssyncadd.s32 $0xFFFFE000  }
0x50: {  	[hbm4b:s12+s31] =	stream.strided.scatter [tilespmem:s23], [sflag:$0x2], $0x2000, s16, s31, $0x38;
	[tilespmem:$0x16400] =	vst v63  }
0x51: {  	_ =	swait.ge [sflag:s15], $0x2000  }
0x52: {  	[sflag:s15] =	ssyncset.done $0x0  }
0x53: {  	s6 =	sadd.s32 @!p0 $0x600, s29;
	s7 =	simm.s32 @!p0 $0xE400;
	[sflag:s15] =	ssyncadd.s32 $0xFFFFE000  }
0x54: {  	[tilespmem:s7], [sflag:$0x1] =	stream.indirect.gather @!p0 [hbm4b:s3+s2], $0x40, s6, s2, $0xb8;
	[tilespmem:$0x16400] =	vst v63  }
0x55: {  	_ =	swait.ge [sflag:s5], $0x2000  }
0x56: {  	[sflag:s5] =	ssyncset.done $0x0  }
0x57: {  	[sflag:s5] =	ssyncadd.s32 $0xFFFFE000  }
0x58: {  	[hbm4b:s11+s31] =	stream.strided.scatter [tilespmem:s25], [sflag:$0x2], $0x2000, s16, s31, $0x38;
	[tilespmem:$0x16400] =	vst v63  }
0x59: {  	_ =	swait.ge [sflag:s15], $0x2000  }
0x5a: {  	[sflag:s15] =	ssyncset.done $0x0  }
0x5b: {  	s6 =	sadd.s32 @!p0 $0x680, s29;
	s7 =	simm.s32 @!p0 $0x10400;
	[sflag:s15] =	ssyncadd.s32 $0xFFFFE000  }
0x5c: {  	[tilespmem:s7], [sflag:$0x1] =	stream.indirect.gather @!p0 [hbm4b:s3+s2], $0x40, s6, s2, $0xb8;
	[tilespmem:$0x16400] =	vst v63  }
0x5d: {  	_ =	swait.ge [sflag:s5], $0x2000  }
0x5e: {  	[sflag:s5] =	ssyncset.done $0x0  }
0x5f: {  	[sflag:s5] =	ssyncadd.s32 $0xFFFFE000  }
0x60: {  	[hbm4b:s10+s31] =	stream.strided.scatter [tilespmem:s28], [sflag:$0x2], $0x2000, s16, s31, $0x38;
	[tilespmem:$0x16400] =	vst v63  }
0x61: {  	_ =	swait.ge [sflag:s15], $0x2000  }
0x62: {  	[sflag:s15] =	ssyncset.done $0x0  }
0x63: {  	s6 =	sadd.s32 @!p0 $0x700, s29;
	s7 =	simm.s32 @!p0 $0x12400;
	[sflag:s15] =	ssyncadd.s32 $0xFFFFE000  }
0x64: {  	[tilespmem:s7], [sflag:$0x1] =	stream.indirect.gather @!p0 [hbm4b:s3+s2], $0x40, s6, s2, $0xb8;
	[tilespmem:$0x16400] =	vst v63  }
0x65: {  	_ =	swait.ge [sflag:s5], $0x2000  }
0x66: {  	[sflag:s5] =	ssyncset.done $0x0  }
.Ltmp2:
0x67: {  	[sflag:s5] =	ssyncadd.s32 $0xFFFFE000;
	(pc) =	sbr.rel @p0 .LBB2_4-.Ltmp2, $4  }
0x68: {  	[hbm4b:s9+s31] =	stream.strided.scatter [tilespmem:s30], [sflag:$0x2], $0x2000, s16, s31, $0x38;
	[tilespmem:$0x16400] =	vst v63  }
0x69: {  	_ =	swait.ge [sflag:s15], $0x2000  }
0x6a: {  	[sflag:s15] =	ssyncset.done $0x0  }
0x6b: {  	[sflag:s15] =	ssyncadd.s32 $0xFFFFE000  }
.Ltmp3:
0x6c: {  	(pc) =	sbr.rel .LBB2_2-.Ltmp3, $4  }
0x6d: {  	s2 =	sshra.s32 s0, $0x2;
	s8 =	sadd.s32 $0x200000, s8  }
0x6e: {  	s9 =	sadd.s32 $0x40000, s9;
	s10 =	sadd.s32 $0x40000, s10;
	s11 =	sadd.s32 $0x40000, s11  }
0x6f: {  	s12 =	sadd.s32 $0x40000, s12;
	s0 =	sadd.s32 $0x1000, s0;
	s2 =	sadd.s32 $0x780, s2  }
0x70: {  	[tilespmem:s30], [sflag:$0x1] =	stream.indirect.gather [hbm4b:s3+s16], $0x40, s2, s16, $0xb8;
	[tilespmem:$0x16400] =	vst v63  }
.LBB2_5:
0x71: {  	_ =	sfence.sel $0x180000  }
0x72: {  	[bflag:$0x0] =	sbarrier.arrive $0xFFFF  }
0x73: {  	_ =	strace $0x90000047  }
0x74: {  	s0 =	stileid.u32;
	[bflag:$0x2] =	sbarrier.arrive $0xFFFF  }
0x75: {  	p0 =	sne.s32 s0, $0x0;
	s0 =	rddreg [dreg:$0x2]  }
0x76: {  	s0 =	sadd.s32 @!p0 $0x100000, s0  }
0x77: {  	[sflag:s0] =	ssyncadd.tile.s32 @!p0 $0x1;
	_ =	shalt  }
.Lfunc_end2:
_tile_overlayer_lowered:
.L_overlay_start_2:
0x78: {  	(tag) =	ssettag $0x2  }
0x79: {  	s0 =	rddreg [dreg:$0x0];
	s2 =	stileid.u32  }
0x7a: {  	s1 =	rddreg [dreg:$0x1];
	p0 =	sne.s32 s2, $0x0  }
0x7b: {  	s3 =	rddreg [dreg:$0x2];
	[bflag:$0x3] =	sbarrier.arrive $0xFFFF;
	s2 =	simm.s32 @!p0 $0x1C02  }
0x7c: {  	[timem:s3], [sflag:s2] =	dma.local @!p0 [hbm:s0], s1  }
0x7d: {  	s0 =	simm.s32 @!p0 $0x2  }
0x7e: {  	_ =	swait.ge @!p0 [sflag:s0], s1  }
0x7f: {  	s1 =	ssub.s32 @!p0 $0x0, s1;
	[sflag:s0] =	ssyncset.done @!p0 $0x0  }
0x80: {  	[sflag:s0] =	ssyncadd.s32 @!p0 s1  }
0x81: {  	[bflag:$0x3] =	sbarrier.arrive $0xFFFF  }
0x82: {  	_ =	shalt  }

</sc_bundles>
